<compile_context>
chip_gen: v7x
topology: tpu7x:2x2x1
jax: 0.10.2.dev20260603
libtpu: 0.0.44.dev20260713+nightly
codegen_flags: <defaults>
</compile_context>

<pallas_src>
import functools

import jax
import jax.numpy as jnp
from jax import lax
from jax.experimental import pallas as pl
from jax.experimental.pallas import tpu as pltpu
from jax.experimental.pallas import tpu_sc as plsc

N_NODES = 10000
D_IN = 128
D_OUT = 64
E_RAW = 320000

N_WORKERS = 32
WIN = 80
NWIN = 125
EDGES_PER_TILE = WIN * NWIN
NPAD = 10240
ROWS_PER_TILE = NPAD // 16


def _tc_prologue(x, W, av8):

    def body(x_ref, w_ref, av_ref, h_ref, a8_ref):
        h = lax.dot_general(x_ref[...], w_ref[...], (((1,), (1,)), ((), ())),
                            preferred_element_type=jnp.float32)
        h_ref[...] = h
        a8_ref[...] = lax.dot_general(av_ref[...], h, (((1,), (1,)), ((), ())),
                                      preferred_element_type=jnp.float32)

    return pl.pallas_call(
        body,
        out_shape=(
            jax.ShapeDtypeStruct((N_NODES, D_OUT), jnp.float32),
            jax.ShapeDtypeStruct((8, N_NODES), jnp.float32),
        ),
    )(x, W, av8)


def _sc_edge_kernel():
    mesh = plsc.VectorSubcoreMesh(core_axis_name="c", subcore_axis_name="s")

    @functools.partial(
        pl.kernel,
        out_type=(
            jax.ShapeDtypeStruct((2, NPAD, D_OUT), jnp.float32),
            jax.ShapeDtypeStruct((2, NPAD), jnp.float32),
        ),
        mesh=mesh,
        compiler_params=pltpu.CompilerParams(
            needs_layout_passes=False, use_tc_tiling_on_sc=False),
        scratch_types=[
            pltpu.VMEM((NWIN, WIN), jnp.int32),
            pltpu.VMEM((NWIN, WIN), jnp.int32),
            pltpu.VMEM((2, WIN), jnp.float32),
            pltpu.VMEM((2, WIN), jnp.float32),
            pltpu.VMEM((2, WIN), jnp.float32),
            pltpu.VMEM((4, WIN, D_OUT), jnp.float32),
            pltpu.VMEM_SHARED((NPAD, D_OUT), jnp.float32),
            pltpu.VMEM_SHARED((NPAD,), jnp.float32),
            pltpu.VMEM_SHARED((N_NODES, D_OUT), jnp.float32),
            pltpu.VMEM_SHARED((N_NODES,), jnp.float32),
            pltpu.VMEM_SHARED((N_NODES,), jnp.float32),
            pltpu.SemaphoreType.DMA,
            pltpu.SemaphoreType.DMA,
            pltpu.SemaphoreType.DMA,
            pltpu.SemaphoreType.DMA,
        ],
    )
    def edge_kernel(src_hbm, dst_hbm, a8_hbm, h_hbm, z64_hbm, z1_hbm,
                    num_hbm, den_hbm,
                    srcv, dstv, asl, adl, wv, rowsv, num_sh, den_sh, h_sh,
                    as_sh, ad_sh, gsem, ssem, dsem, lsem):
        core = lax.axis_index("c")
        sub = lax.axis_index("s")
        wid = sub * 2 + core

        rbase = sub * ROWS_PER_TILE
        pltpu.sync_copy(z64_hbm, num_sh.at[pl.ds(rbase, ROWS_PER_TILE)])
        pltpu.sync_copy(z1_hbm, den_sh.at[pl.ds(rbase, ROWS_PER_TILE)])

        hrows = N_NODES // 16
        hbase = sub * hrows
        pltpu.async_copy(src_hbm.at[wid], srcv, gsem)
        pltpu.async_copy(dst_hbm.at[wid], dstv, gsem)
        pltpu.async_copy(h_hbm.at[pl.ds(hbase, hrows)],
                         h_sh.at[pl.ds(hbase, hrows)], gsem)

        @pl.when(sub == 0)
        def _():
            pltpu.async_copy(a8_hbm.at[0], as_sh, lsem)

        @pl.when(sub == 1)
        def _():
            pltpu.async_copy(a8_hbm.at[1], ad_sh, lsem)

        pltpu.make_async_copy(src_hbm.at[wid], srcv, gsem).wait()
        pltpu.make_async_copy(src_hbm.at[wid], srcv, gsem).wait()
        pltpu.make_async_copy(h_hbm.at[pl.ds(hbase, hrows)],
                              h_sh.at[pl.ds(hbase, hrows)], gsem).wait()

        @pl.when(sub < 2)
        def _():
            pltpu.make_async_copy(a8_hbm.at[0], as_sh, lsem).wait()

        plsc.subcore_barrier()

        def wissue(j, ring):
            pltpu.async_copy(as_sh.at[srcv.at[j]], asl.at[ring], lsem)
            pltpu.async_copy(ad_sh.at[dstv.at[j]], adl.at[ring], lsem)

        def wrow(j, ring):
            pltpu.make_async_copy(as_sh.at[pl.ds(0, WIN)], asl.at[ring],
                                  lsem).wait()
            pltpu.make_async_copy(as_sh.at[pl.ds(0, WIN)], asl.at[ring],
                                  lsem).wait()
            for g in range(WIN // 16):
                sl = pl.ds(g * 16, 16)
                a = asl[ring, sl] + adl[ring, sl]
                a = jnp.maximum(a, a * jnp.float32(0.2))
                wv[ring, sl] = jnp.exp(a)

        pltpu.async_copy(h_sh.at[srcv.at[0]], rowsv.at[0], gsem)
        pltpu.async_copy(h_sh.at[srcv.at[1]], rowsv.at[1], gsem)
        pltpu.async_copy(h_sh.at[srcv.at[2]], rowsv.at[2], gsem)
        wissue(0, 0)
        wrow(0, 0)

        def wait_gather(buf):
            pltpu.make_async_copy(h_sh.at[pl.ds(0, WIN)], rowsv.at[buf],
                                  gsem).wait()

        def wait_num_scatter(buf):
            pltpu.make_async_copy(rowsv.at[buf], num_sh.at[pl.ds(0, WIN)],
                                  ssem).wait()

        def wait_den_scatter():
            pltpu.make_async_copy(wv.at[0], den_sh.at[pl.ds(0, WIN)],
                                  dsem).wait()

        def window(j, carry):
            buf = lax.rem(j, 4)
            wring = lax.rem(j, 2)
            ring = lax.rem(j + 1, 2)
            wait_gather(buf)
            @pl.when(j >= 1)
            def _():
                wait_num_scatter(0)
                wait_den_scatter()

            @pl.when(j + 3 < NWIN)
            def _():
                pltpu.async_copy(h_sh.at[srcv.at[j + 3]],
                                 rowsv.at[lax.rem(j + 3, 4)], gsem)

            @pl.when(j + 1 < NWIN)
            def _():
                wissue(j + 1, ring)

            pltpu.async_copy(wv.at[wring], den_sh.at[dstv.at[j]], dsem,
                             add=True)

            splat_w = jnp.full((16,), wring, jnp.int32)

            def scale(e, c2):
                wvec = plsc.load_gather(
                    wv, [splat_w, jnp.full((16,), e, jnp.int32)])
                for c in range(D_OUT // 16):
                    csl = pl.ds(c * 16, 16)
                    rowsv[buf, e, csl] = rowsv[buf, e, csl] * wvec
                return c2

            lax.fori_loop(0, WIN, scale, 0, unroll=2)

            @pl.when(j + 1 < NWIN)
            def _():
                wrow(j + 1, ring)

            pltpu.async_copy(rowsv.at[buf], num_sh.at[dstv.at[j]], ssem,
                             add=True)
            return carry

        lax.fori_loop(0, NWIN, window, 0)
        wait_num_scatter(0)
        wait_den_scatter()

        plsc.subcore_barrier()

        pltpu.sync_copy(num_sh.at[pl.ds(rbase, ROWS_PER_TILE)],
                        num_hbm.at[core, pl.ds(rbase, ROWS_PER_TILE)])
        pltpu.sync_copy(den_sh.at[pl.ds(rbase, ROWS_PER_TILE)],
                        den_hbm.at[core, pl.ds(rbase, ROWS_PER_TILE)])

    return edge_kernel


def _tc_epilogue(num_p, den_p, h, a8, bias, gamma, beta):
    def body(num_ref, den_ref, h_ref, a8_ref, b_ref, g_ref, be_ref, out_ref):
        a = a8_ref[0, :] + a8_ref[1, :]
        a = jnp.maximum(a, a * jnp.float32(0.2))
        wself = jnp.exp(a)
        num = (num_ref[0, :N_NODES, :] + num_ref[1, :N_NODES, :]
               + wself[:, None] * h_ref[...])
        den = den_ref[0, :N_NODES] + den_ref[1, :N_NODES] + wself
        pre = num / (den + jnp.float32(1e-16))[:, None] + b_ref[...]
        pre = jnp.maximum(pre, 0.0)
        mean = jnp.mean(pre, axis=0, keepdims=True)
        var = jnp.mean((pre - mean) ** 2, axis=0, keepdims=True)
        out_ref[...] = ((pre - mean) * lax.rsqrt(var + jnp.float32(1e-5))
                        * g_ref[...] + be_ref[...])

    return pl.pallas_call(
        body,
        out_shape=jax.ShapeDtypeStruct((N_NODES, D_OUT), jnp.float32),
    )(num_p, den_p, h, a8, bias, gamma, beta)


def kernel(x, edge_index, W, att_src, att_dst, bias, gamma, beta):
    av8 = jnp.concatenate(
        [att_src[None, :], att_dst[None, :],
         jnp.zeros((6, D_OUT), jnp.float32)], axis=0)
    h, a8 = _tc_prologue(x, W, av8)

    src3 = edge_index[0].reshape(N_WORKERS, NWIN, WIN)
    dst3 = edge_index[1].reshape(N_WORKERS, NWIN, WIN)

    z64 = jnp.zeros((ROWS_PER_TILE, D_OUT), jnp.float32)
    z1 = jnp.zeros((ROWS_PER_TILE,), jnp.float32)

    num_p, den_p = _sc_edge_kernel()(src3, dst3, a8, h, z64, z1)

    return _tc_epilogue(num_p, den_p, h, a8, bias, gamma, beta)

# --- scband reference (transcript-rebuilt; emitter-appended) ---
"""Pipeline reference for scband-gnn-38740605010070 (READ-ONLY COPY).

The authoritative reference and input builder live on the scoring server;
editing this copy changes nothing except your own understanding.
"""

import jax, jax.numpy as jnp
import numpy as np

N = 10000
E = 320000
D_IN = 128
D_OUT = 64
HEADS = 1


def setup_inputs(seed: int = 0) -> dict:
    key = jax.random.key(seed)
    ks = jax.random.split(key, 8)
    x = jax.random.normal(ks[0], (N, D_IN), dtype=jnp.float32)
    edge_index = jax.random.randint(ks[1], (2, E), 0, N, dtype=jnp.int32)
    # GATConv lin weight (xavier uniform), att_src/att_dst vectors, bias
    limit_w = float(np.sqrt(6.0 / (D_IN + D_OUT)))
    W = jax.random.uniform(ks[2], (D_OUT, D_IN), minval=-limit_w, maxval=limit_w, dtype=jnp.float32)
    limit_a = float(np.sqrt(6.0 / (1 + D_OUT)))
    att_src = jax.random.uniform(ks[3], (D_OUT,), minval=-limit_a, maxval=limit_a, dtype=jnp.float32)
    att_dst = jax.random.uniform(ks[4], (D_OUT,), minval=-limit_a, maxval=limit_a, dtype=jnp.float32)
    bias = jnp.zeros((D_OUT,), dtype=jnp.float32)
    # BatchNorm1d params (affine)
    gamma = jnp.ones((D_OUT,), dtype=jnp.float32)
    beta = jnp.zeros((D_OUT,), dtype=jnp.float32)
    return {"x": x, "edge_index": edge_index, "W": W, "att_src": att_src, "att_dst": att_dst, "bias": bias, "gamma": gamma, "beta": beta}


def reference(x, edge_index, W, att_src, att_dst, bias, gamma, beta):
    # --- GATConv (heads=1, add_self_loops=True, negative_slope=0.2) ---
    src = edge_index[0]
    dst = edge_index[1]
    loop = jnp.arange(N, dtype=src.dtype)
    src = jnp.concatenate([src, loop])
    dst = jnp.concatenate([dst, loop])
    h = x @ W.T                               # [N, D_OUT]
    a_s = h @ att_src                         # [N]
    a_d = h @ att_dst                         # [N]
    alpha = a_s[src] + a_d[dst]               # gather per edge
    alpha = jax.nn.leaky_relu(alpha, negative_slope=0.2)
    # softmax over incoming edges at each dst node
    amax = jax.ops.segment_max(alpha, dst, num_segments=N)
    amax = jnp.where(jnp.isfinite(amax), amax, 0.0)
    ex = jnp.exp(alpha - amax[dst])
    denom = jax.ops.segment_sum(ex, dst, num_segments=N)
    coef = ex / (denom[dst] + 1e-16)
    out = jax.ops.segment_sum(coef[:, None] * h[src], dst, num_segments=N)  # scatter-add
    out = out + bias
    # --- transition: flatten (heads=1 -> identity), ReLU, BatchNorm1d (batch stats), Dropout (identity) ---
    out = jax.nn.relu(out)
    mean = jnp.mean(out, axis=0)
    var = jnp.var(out, axis=0)
    out = (out - mean) / jnp.sqrt(var + 1e-5) * gamma + beta
    return out

if __name__ == "__main__":
    import jax
    _d = setup_inputs()
    print(jax.jit(kernel)(*tuple(_d.values())))

</pallas_src>

<mosaic_0001>
#map = affine_map<(d0, d1) -> (0, 0, 0)>
#map1 = affine_map<(d0, d1) -> (0, 0)>
#map2 = affine_map<(d0, d1) -> (0)>
module attributes {stable_mosaic.version = 14 : i64} {
  func.func @edge_kernel(%arg0: i32, %arg1: i32, %arg2: memref<32x125x80xi32, #tpu.memory_space<hbm>>, %arg3: memref<32x125x80xi32, #tpu.memory_space<hbm>>, %arg4: memref<8x10000xf32, #tpu.memory_space<hbm>>, %arg5: memref<10000x64xf32, #tpu.memory_space<hbm>>, %arg6: memref<640x64xf32, #tpu.memory_space<hbm>>, %arg7: memref<640xf32, #tpu.memory_space<hbm>>, %arg8: memref<2x10240x64xf32, #tpu.memory_space<hbm>>, %arg9: memref<2x10240xf32, #tpu.memory_space<hbm>>, %arg10: memref<125x80xi32, #tpu.memory_space<vmem>>, %arg11: memref<125x80xi32, #tpu.memory_space<vmem>>, %arg12: memref<2x80xf32, #tpu.memory_space<vmem>>, %arg13: memref<2x80xf32, #tpu.memory_space<vmem>>, %arg14: memref<2x80xf32, #tpu.memory_space<vmem>>, %arg15: memref<4x80x64xf32, #tpu.memory_space<vmem>>, %arg16: memref<10240x64xf32, #tpu.memory_space<vmem_shared>>, %arg17: memref<10240xf32, #tpu.memory_space<vmem_shared>>, %arg18: memref<10000x64xf32, #tpu.memory_space<vmem_shared>>, %arg19: memref<10000xf32, #tpu.memory_space<vmem_shared>>, %arg20: memref<10000xf32, #tpu.memory_space<vmem_shared>>, %arg21: memref<!tpu.dma_semaphore, #tpu.memory_space<semaphore_mem>>, %arg22: memref<!tpu.dma_semaphore, #tpu.memory_space<semaphore_mem>>, %arg23: memref<!tpu.dma_semaphore, #tpu.memory_space<semaphore_mem>>, %arg24: memref<!tpu.dma_semaphore, #tpu.memory_space<semaphore_mem>>) attributes {dimension_semantics = [#tpu.dimension_semantics<core_parallel>, #tpu.dimension_semantics<subcore_parallel>], iteration_bounds = array<i64: 2, 16>, scalar_prefetch = 0 : i64, scratch_operands = 15 : i64, tpu.core_type = #tpu.core_type<sc_vector_subcore>, window_params = [{transform_indices = #map}, {transform_indices = #map}, {transform_indices = #map1}, {transform_indices = #map1}, {transform_indices = #map1}, {transform_indices = #map2}, {transform_indices = #map}, {transform_indices = #map1}]} {
    %mul3A = arith.constant 2 : i32
    %mul3A_0 = arith.muli %arg1, %mul3A : i32
    %add3A = arith.addi %mul3A_0, %arg0 : i32
    %mul3A_1 = arith.constant 640 : i32
    %mul3A_2 = arith.muli %arg1, %mul3A_1 : i32
    "tpu.region"() ({
      %run_scoped3A = tpu.sem_alloc : memref<!tpu.dma_semaphore, #tpu.memory_space<semaphore_mem>>
      %dma_start3A_250 = arith.constant 0 : i32
      %dma_start3A_251 = tpu.memref_slice %arg16[%mul3A_2, %dma_start3A_250] : memref<10240x64xf32, #tpu.memory_space<vmem_shared>> -> memref<640x64xf32, #tpu.memory_space<vmem_shared>>
      tpu.enqueue_dma source(%arg6 : memref<640x64xf32, #tpu.memory_space<hbm>>) target(%dma_start3A_251 : memref<640x64xf32, #tpu.memory_space<vmem_shared>>) target_semaphore(%run_scoped3A : memref<!tpu.dma_semaphore, #tpu.memory_space<semaphore_mem>>)
      %dma_wait3A_252 = arith.constant 0 : i32
      %dma_wait3A_253 = tpu.memref_slice %arg16[%mul3A_2, %dma_wait3A_252] : memref<10240x64xf32, #tpu.memory_space<vmem_shared>> -> memref<640x64xf32, #tpu.memory_space<vmem_shared>>
      tpu.wait_dma2 semaphore(%run_scoped3A : memref<!tpu.dma_semaphore, #tpu.memory_space<semaphore_mem>>) src(%arg6 : memref<640x64xf32, #tpu.memory_space<hbm>>) dst(%dma_wait3A_253 : memref<640x64xf32, #tpu.memory_space<vmem_shared>>)
      tpu.yield
    }) : () -> ()
    "tpu.region"() ({
      %run_scoped3A = tpu.sem_alloc : memref<!tpu.dma_semaphore, #tpu.memory_space<semaphore_mem>>
      %dma_start3A_250 = tpu.memref_slice %arg17[%mul3A_2] : memref<10240xf32, #tpu.memory_space<vmem_shared>> -> memref<640xf32, #tpu.memory_space<vmem_shared>>
      tpu.enqueue_dma source(%arg7 : memref<640xf32, #tpu.memory_space<hbm>>) target(%dma_start3A_250 : memref<640xf32, #tpu.memory_space<vmem_shared>>) target_semaphore(%run_scoped3A : memref<!tpu.dma_semaphore, #tpu.memory_space<semaphore_mem>>)
      %dma_wait3A_251 = tpu.memref_slice %arg17[%mul3A_2] : memref<10240xf32, #tpu.memory_space<vmem_shared>> -> memref<640xf32, #tpu.memory_space<vmem_shared>>
      tpu.wait_dma2 semaphore(%run_scoped3A : memref<!tpu.dma_semaphore, #tpu.memory_space<semaphore_mem>>) src(%arg7 : memref<640xf32, #tpu.memory_space<hbm>>) dst(%dma_wait3A_251 : memref<640xf32, #tpu.memory_space<vmem_shared>>)
      tpu.yield
    }) : () -> ()
    %mul3A_3 = arith.constant 625 : i32
    %mul3A_4 = arith.muli %arg1, %mul3A_3 : i32
    %dma_start3A = arith.constant 0 : i32
    %dma_start3A_5 = arith.constant 0 : i32
    %dma_start3A_6 = tpu.memref_slice %arg2[%add3A, %dma_start3A, %dma_start3A_5] : memref<32x125x80xi32, #tpu.memory_space<hbm>> -> memref<1x125x80xi32, #tpu.memory_space<hbm>>
    %dma_start3A_7 = tpu.memref_squeeze %dma_start3A_6 : memref<1x125x80xi32, #tpu.memory_space<hbm>> -> memref<125x80xi32, #tpu.memory_space<hbm>>
    %dma_start3A_8 = arith.constant 0 : i32
    %dma_start3A_9 = arith.constant 0 : i32
    %dma_start3A_10 = tpu.memref_slice %arg2[%add3A, %dma_start3A_8, %dma_start3A_9] : memref<32x125x80xi32, #tpu.memory_space<hbm>> -> memref<1x125x80xi32, #tpu.memory_space<hbm>>
    %dma_start3A_11 = tpu.memref_squeeze %dma_start3A_10 : memref<1x125x80xi32, #tpu.memory_space<hbm>> -> memref<125x80xi32, #tpu.memory_space<hbm>>
    tpu.enqueue_dma source(%dma_start3A_11 : memref<125x80xi32, #tpu.memory_space<hbm>>) target(%arg10 : memref<125x80xi32, #tpu.memory_space<vmem>>) target_semaphore(%arg21 : memref<!tpu.dma_semaphore, #tpu.memory_space<semaphore_mem>>)
    %dma_start3A_12 = arith.constant 0 : i32
    %dma_start3A_13 = arith.constant 0 : i32
    %dma_start3A_14 = tpu.memref_slice %arg3[%add3A, %dma_start3A_12, %dma_start3A_13] : memref<32x125x80xi32, #tpu.memory_space<hbm>> -> memref<1x125x80xi32, #tpu.memory_space<hbm>>
    %dma_start3A_15 = tpu.memref_squeeze %dma_start3A_14 : memref<1x125x80xi32, #tpu.memory_space<hbm>> -> memref<125x80xi32, #tpu.memory_space<hbm>>
    %dma_start3A_16 = arith.constant 0 : i32
    %dma_start3A_17 = arith.constant 0 : i32
    %dma_start3A_18 = tpu.memref_slice %arg3[%add3A, %dma_start3A_16, %dma_start3A_17] : memref<32x125x80xi32, #tpu.memory_space<hbm>> -> memref<1x125x80xi32, #tpu.memory_space<hbm>>
    %dma_start3A_19 = tpu.memref_squeeze %dma_start3A_18 : memref<1x125x80xi32, #tpu.memory_space<hbm>> -> memref<125x80xi32, #tpu.memory_space<hbm>>
    tpu.enqueue_dma source(%dma_start3A_19 : memref<125x80xi32, #tpu.memory_space<hbm>>) target(%arg11 : memref<125x80xi32, #tpu.memory_space<vmem>>) target_semaphore(%arg21 : memref<!tpu.dma_semaphore, #tpu.memory_space<semaphore_mem>>)
    %dma_start3A_20 = arith.constant 0 : i32
    %dma_start3A_21 = tpu.memref_slice %arg18[%mul3A_4, %dma_start3A_20] : memref<10000x64xf32, #tpu.memory_space<vmem_shared>> -> memref<625x64xf32, #tpu.memory_space<vmem_shared>>
    %dma_start3A_22 = arith.constant 0 : i32
    %dma_start3A_23 = tpu.memref_slice %arg5[%mul3A_4, %dma_start3A_22] : memref<10000x64xf32, #tpu.memory_space<hbm>> -> memref<625x64xf32, #tpu.memory_space<hbm>>
    tpu.enqueue_dma source(%dma_start3A_23 : memref<625x64xf32, #tpu.memory_space<hbm>>) target(%dma_start3A_21 : memref<625x64xf32, #tpu.memory_space<vmem_shared>>) target_semaphore(%arg21 : memref<!tpu.dma_semaphore, #tpu.memory_space<semaphore_mem>>)
    %eq3A = arith.constant 0 : i32
    %eq3A_24 = arith.cmpi eq, %arg1, %eq3A : i32
    %convert_element_type3A = arith.extui %eq3A_24 : i1 to i32
    %cond3A = arith.constant 0 : i32
    %cond3A_25 = arith.cmpi ne, %convert_element_type3A, %cond3A : i32
    scf.if %cond3A_25 {
      %dma_start3A_250 = arith.constant 0 : i32
      %dma_start3A_251 = arith.constant 0 : i32
      %dma_start3A_252 = tpu.memref_slice %arg4[%dma_start3A_250, %dma_start3A_251] : memref<8x10000xf32, #tpu.memory_space<hbm>> -> memref<1x10000xf32, #tpu.memory_space<hbm>>
      %dma_start3A_253 = tpu.memref_squeeze %dma_start3A_252 : memref<1x10000xf32, #tpu.memory_space<hbm>> -> memref<10000xf32, #tpu.memory_space<hbm>>
      tpu.enqueue_dma source(%dma_start3A_253 : memref<10000xf32, #tpu.memory_space<hbm>>) target(%arg19 : memref<10000xf32, #tpu.memory_space<vmem_shared>>) target_semaphore(%arg24 : memref<!tpu.dma_semaphore, #tpu.memory_space<semaphore_mem>>)
    } else {
    }
    %eq3A_26 = arith.constant 1 : i32
    %eq3A_27 = arith.cmpi eq, %arg1, %eq3A_26 : i32
    %convert_element_type3A_28 = arith.extui %eq3A_27 : i1 to i32
    %cond3A_29 = arith.constant 0 : i32
    %cond3A_30 = arith.cmpi ne, %convert_element_type3A_28, %cond3A_29 : i32
    scf.if %cond3A_30 {
      %dma_start3A_250 = arith.constant 1 : i32
      %dma_start3A_251 = arith.constant 0 : i32
      %dma_start3A_252 = tpu.memref_slice %arg4[%dma_start3A_250, %dma_start3A_251] : memref<8x10000xf32, #tpu.memory_space<hbm>> -> memref<1x10000xf32, #tpu.memory_space<hbm>>
      %dma_start3A_253 = tpu.memref_squeeze %dma_start3A_252 : memref<1x10000xf32, #tpu.memory_space<hbm>> -> memref<10000xf32, #tpu.memory_space<hbm>>
      tpu.enqueue_dma source(%dma_start3A_253 : memref<10000xf32, #tpu.memory_space<hbm>>) target(%arg20 : memref<10000xf32, #tpu.memory_space<vmem_shared>>) target_semaphore(%arg24 : memref<!tpu.dma_semaphore, #tpu.memory_space<semaphore_mem>>)
    } else {
    }
    %dma_wait3A = arith.constant 0 : i32
    %dma_wait3A_31 = arith.constant 0 : i32
    %dma_wait3A_32 = tpu.memref_slice %arg2[%add3A, %dma_wait3A, %dma_wait3A_31] : memref<32x125x80xi32, #tpu.memory_space<hbm>> -> memref<1x125x80xi32, #tpu.memory_space<hbm>>
    %dma_wait3A_33 = tpu.memref_squeeze %dma_wait3A_32 : memref<1x125x80xi32, #tpu.memory_space<hbm>> -> memref<125x80xi32, #tpu.memory_space<hbm>>
    %dma_wait3A_34 = arith.constant 0 : i32
    %dma_wait3A_35 = arith.constant 0 : i32
    %dma_wait3A_36 = tpu.memref_slice %arg2[%add3A, %dma_wait3A_34, %dma_wait3A_35] : memref<32x125x80xi32, #tpu.memory_space<hbm>> -> memref<1x125x80xi32, #tpu.memory_space<hbm>>
    %dma_wait3A_37 = tpu.memref_squeeze %dma_wait3A_36 : memref<1x125x80xi32, #tpu.memory_space<hbm>> -> memref<125x80xi32, #tpu.memory_space<hbm>>
    tpu.wait_dma2 semaphore(%arg21 : memref<!tpu.dma_semaphore, #tpu.memory_space<semaphore_mem>>) src(%dma_wait3A_37 : memref<125x80xi32, #tpu.memory_space<hbm>>) dst(%arg10 : memref<125x80xi32, #tpu.memory_space<vmem>>)
    %dma_wait3A_38 = arith.constant 0 : i32
    %dma_wait3A_39 = arith.constant 0 : i32
    %dma_wait3A_40 = tpu.memref_slice %arg2[%add3A, %dma_wait3A_38, %dma_wait3A_39] : memref<32x125x80xi32, #tpu.memory_space<hbm>> -> memref<1x125x80xi32, #tpu.memory_space<hbm>>
    %dma_wait3A_41 = tpu.memref_squeeze %dma_wait3A_40 : memref<1x125x80xi32, #tpu.memory_space<hbm>> -> memref<125x80xi32, #tpu.memory_space<hbm>>
    %dma_wait3A_42 = arith.constant 0 : i32
    %dma_wait3A_43 = arith.constant 0 : i32
    %dma_wait3A_44 = tpu.memref_slice %arg2[%add3A, %dma_wait3A_42, %dma_wait3A_43] : memref<32x125x80xi32, #tpu.memory_space<hbm>> -> memref<1x125x80xi32, #tpu.memory_space<hbm>>
    %dma_wait3A_45 = tpu.memref_squeeze %dma_wait3A_44 : memref<1x125x80xi32, #tpu.memory_space<hbm>> -> memref<125x80xi32, #tpu.memory_space<hbm>>
    tpu.wait_dma2 semaphore(%arg21 : memref<!tpu.dma_semaphore, #tpu.memory_space<semaphore_mem>>) src(%dma_wait3A_45 : memref<125x80xi32, #tpu.memory_space<hbm>>) dst(%arg10 : memref<125x80xi32, #tpu.memory_space<vmem>>)
    %dma_wait3A_46 = arith.constant 0 : i32
    %dma_wait3A_47 = tpu.memref_slice %arg18[%mul3A_4, %dma_wait3A_46] : memref<10000x64xf32, #tpu.memory_space<vmem_shared>> -> memref<625x64xf32, #tpu.memory_space<vmem_shared>>
    %dma_wait3A_48 = arith.constant 0 : i32
    %dma_wait3A_49 = tpu.memref_slice %arg5[%mul3A_4, %dma_wait3A_48] : memref<10000x64xf32, #tpu.memory_space<hbm>> -> memref<625x64xf32, #tpu.memory_space<hbm>>
    tpu.wait_dma2 semaphore(%arg21 : memref<!tpu.dma_semaphore, #tpu.memory_space<semaphore_mem>>) src(%dma_wait3A_49 : memref<625x64xf32, #tpu.memory_space<hbm>>) dst(%dma_wait3A_47 : memref<625x64xf32, #tpu.memory_space<vmem_shared>>)
    %lt3A = arith.constant 2 : i32
    %lt3A_50 = arith.cmpi slt, %arg1, %lt3A : i32
    %convert_element_type3A_51 = arith.extui %lt3A_50 : i1 to i32
    %cond3A_52 = arith.constant 0 : i32
    %cond3A_53 = arith.cmpi ne, %convert_element_type3A_51, %cond3A_52 : i32
    scf.if %cond3A_53 {
      %dma_wait3A_250 = arith.constant 0 : i32
      %dma_wait3A_251 = arith.constant 0 : i32
      %dma_wait3A_252 = tpu.memref_slice %arg4[%dma_wait3A_250, %dma_wait3A_251] : memref<8x10000xf32, #tpu.memory_space<hbm>> -> memref<1x10000xf32, #tpu.memory_space<hbm>>
      %dma_wait3A_253 = tpu.memref_squeeze %dma_wait3A_252 : memref<1x10000xf32, #tpu.memory_space<hbm>> -> memref<10000xf32, #tpu.memory_space<hbm>>
      tpu.wait_dma2 semaphore(%arg24 : memref<!tpu.dma_semaphore, #tpu.memory_space<semaphore_mem>>) src(%dma_wait3A_253 : memref<10000xf32, #tpu.memory_space<hbm>>) dst(%arg19 : memref<10000xf32, #tpu.memory_space<vmem_shared>>)
    } else {
    }
    %barrier3A = arith.constant 0 : index
    tpu.barrier barrier_id(%barrier3A)
    %dma_start3A_54 = arith.constant 0 : i32
    %dma_start3A_55 = arith.constant 0 : i32
    %dma_start3A_56 = arith.constant 0 : i32
    %dma_start3A_57 = arith.constant 0 : i32
    %dma_start3A_58 = tpu.memref_slice %arg15[%dma_start3A_55, %dma_start3A_56, %dma_start3A_57] : memref<4x80x64xf32, #tpu.memory_space<vmem>> -> memref<1x80x64xf32, #tpu.memory_space<vmem>>
    %dma_start3A_59 = tpu.memref_squeeze %dma_start3A_58 : memref<1x80x64xf32, #tpu.memory_space<vmem>> -> memref<80x64xf32, #tpu.memory_space<vmem>>
    %dma_start3A_60 = arith.constant 0 : i32
    %dma_start3A_61 = tpu.memref_slice %arg10[%dma_start3A_54, %dma_start3A_60] : memref<125x80xi32, #tpu.memory_space<vmem>> -> memref<1x80xi32, #tpu.memory_space<vmem>>
    %dma_start3A_62 = tpu.memref_squeeze %dma_start3A_61 : memref<1x80xi32, #tpu.memory_space<vmem>> -> memref<80xi32, #tpu.memory_space<vmem>>
    %dma_start3A_63 = arith.constant 0 : i32
    %dma_start3A_64 = arith.constant 0 : i32
    %dma_start3A_65 = tpu.memref_slice %arg18[%dma_start3A_63, %dma_start3A_64] : memref<10000x64xf32, #tpu.memory_space<vmem_shared>> -> memref<10000x64xf32, #tpu.memory_space<vmem_shared>>
    tpu.enqueue_indirect_dma source(%dma_start3A_65 : memref<10000x64xf32, #tpu.memory_space<vmem_shared>>) target(%dma_start3A_59 : memref<80x64xf32, #tpu.memory_space<vmem>>) offsets(%dma_start3A_62 : memref<80xi32, #tpu.memory_space<vmem>>) semaphore(%arg21 : memref<!tpu.dma_semaphore, #tpu.memory_space<semaphore_mem>>)
    %dma_start3A_66 = arith.constant 1 : i32
    %dma_start3A_67 = arith.constant 1 : i32
    %dma_start3A_68 = arith.constant 0 : i32
    %dma_start3A_69 = arith.constant 0 : i32
    %dma_start3A_70 = tpu.memref_slice %arg15[%dma_start3A_67, %dma_start3A_68, %dma_start3A_69] : memref<4x80x64xf32, #tpu.memory_space<vmem>> -> memref<1x80x64xf32, #tpu.memory_space<vmem>>
    %dma_start3A_71 = tpu.memref_squeeze %dma_start3A_70 : memref<1x80x64xf32, #tpu.memory_space<vmem>> -> memref<80x64xf32, #tpu.memory_space<vmem>>
    %dma_start3A_72 = arith.constant 0 : i32
    %dma_start3A_73 = tpu.memref_slice %arg10[%dma_start3A_66, %dma_start3A_72] : memref<125x80xi32, #tpu.memory_space<vmem>> -> memref<1x80xi32, #tpu.memory_space<vmem>>
    %dma_start3A_74 = tpu.memref_squeeze %dma_start3A_73 : memref<1x80xi32, #tpu.memory_space<vmem>> -> memref<80xi32, #tpu.memory_space<vmem>>
    %dma_start3A_75 = arith.constant 0 : i32
    %dma_start3A_76 = arith.constant 0 : i32
    %dma_start3A_77 = tpu.memref_slice %arg18[%dma_start3A_75, %dma_start3A_76] : memref<10000x64xf32, #tpu.memory_space<vmem_shared>> -> memref<10000x64xf32, #tpu.memory_space<vmem_shared>>
    tpu.enqueue_indirect_dma source(%dma_start3A_77 : memref<10000x64xf32, #tpu.memory_space<vmem_shared>>) target(%dma_start3A_71 : memref<80x64xf32, #tpu.memory_space<vmem>>) offsets(%dma_start3A_74 : memref<80xi32, #tpu.memory_space<vmem>>) semaphore(%arg21 : memref<!tpu.dma_semaphore, #tpu.memory_space<semaphore_mem>>)
    %dma_start3A_78 = arith.constant 2 : i32
    %dma_start3A_79 = arith.constant 2 : i32
    %dma_start3A_80 = arith.constant 0 : i32
    %dma_start3A_81 = arith.constant 0 : i32
    %dma_start3A_82 = tpu.memref_slice %arg15[%dma_start3A_79, %dma_start3A_80, %dma_start3A_81] : memref<4x80x64xf32, #tpu.memory_space<vmem>> -> memref<1x80x64xf32, #tpu.memory_space<vmem>>
    %dma_start3A_83 = tpu.memref_squeeze %dma_start3A_82 : memref<1x80x64xf32, #tpu.memory_space<vmem>> -> memref<80x64xf32, #tpu.memory_space<vmem>>
    %dma_start3A_84 = arith.constant 0 : i32
    %dma_start3A_85 = tpu.memref_slice %arg10[%dma_start3A_78, %dma_start3A_84] : memref<125x80xi32, #tpu.memory_space<vmem>> -> memref<1x80xi32, #tpu.memory_space<vmem>>
    %dma_start3A_86 = tpu.memref_squeeze %dma_start3A_85 : memref<1x80xi32, #tpu.memory_space<vmem>> -> memref<80xi32, #tpu.memory_space<vmem>>
    %dma_start3A_87 = arith.constant 0 : i32
    %dma_start3A_88 = arith.constant 0 : i32
    %dma_start3A_89 = tpu.memref_slice %arg18[%dma_start3A_87, %dma_start3A_88] : memref<10000x64xf32, #tpu.memory_space<vmem_shared>> -> memref<10000x64xf32, #tpu.memory_space<vmem_shared>>
    tpu.enqueue_indirect_dma source(%dma_start3A_89 : memref<10000x64xf32, #tpu.memory_space<vmem_shared>>) target(%dma_start3A_83 : memref<80x64xf32, #tpu.memory_space<vmem>>) offsets(%dma_start3A_86 : memref<80xi32, #tpu.memory_space<vmem>>) semaphore(%arg21 : memref<!tpu.dma_semaphore, #tpu.memory_space<semaphore_mem>>)
    %dma_start3A_90 = arith.constant 0 : i32
    %dma_start3A_91 = arith.constant 0 : i32
    %dma_start3A_92 = arith.constant 0 : i32
    %dma_start3A_93 = tpu.memref_slice %arg12[%dma_start3A_91, %dma_start3A_92] : memref<2x80xf32, #tpu.memory_space<vmem>> -> memref<1x80xf32, #tpu.memory_space<vmem>>
    %dma_start3A_94 = tpu.memref_squeeze %dma_start3A_93 : memref<1x80xf32, #tpu.memory_space<vmem>> -> memref<80xf32, #tpu.memory_space<vmem>>
    %dma_start3A_95 = arith.constant 0 : i32
    %dma_start3A_96 = tpu.memref_slice %arg10[%dma_start3A_90, %dma_start3A_95] : memref<125x80xi32, #tpu.memory_space<vmem>> -> memref<1x80xi32, #tpu.memory_space<vmem>>
    %dma_start3A_97 = tpu.memref_squeeze %dma_start3A_96 : memref<1x80xi32, #tpu.memory_space<vmem>> -> memref<80xi32, #tpu.memory_space<vmem>>
    %dma_start3A_98 = arith.constant 0 : i32
    %dma_start3A_99 = tpu.memref_slice %arg19[%dma_start3A_98] : memref<10000xf32, #tpu.memory_space<vmem_shared>> -> memref<10000xf32, #tpu.memory_space<vmem_shared>>
    tpu.enqueue_indirect_dma source(%dma_start3A_99 : memref<10000xf32, #tpu.memory_space<vmem_shared>>) target(%dma_start3A_94 : memref<80xf32, #tpu.memory_space<vmem>>) offsets(%dma_start3A_97 : memref<80xi32, #tpu.memory_space<vmem>>) semaphore(%arg24 : memref<!tpu.dma_semaphore, #tpu.memory_space<semaphore_mem>>)
    %dma_start3A_100 = arith.constant 0 : i32
    %dma_start3A_101 = arith.constant 0 : i32
    %dma_start3A_102 = arith.constant 0 : i32
    %dma_start3A_103 = tpu.memref_slice %arg13[%dma_start3A_101, %dma_start3A_102] : memref<2x80xf32, #tpu.memory_space<vmem>> -> memref<1x80xf32, #tpu.memory_space<vmem>>
    %dma_start3A_104 = tpu.memref_squeeze %dma_start3A_103 : memref<1x80xf32, #tpu.memory_space<vmem>> -> memref<80xf32, #tpu.memory_space<vmem>>
    %dma_start3A_105 = arith.constant 0 : i32
    %dma_start3A_106 = tpu.memref_slice %arg11[%dma_start3A_100, %dma_start3A_105] : memref<125x80xi32, #tpu.memory_space<vmem>> -> memref<1x80xi32, #tpu.memory_space<vmem>>
    %dma_start3A_107 = tpu.memref_squeeze %dma_start3A_106 : memref<1x80xi32, #tpu.memory_space<vmem>> -> memref<80xi32, #tpu.memory_space<vmem>>
    %dma_start3A_108 = arith.constant 0 : i32
    %dma_start3A_109 = tpu.memref_slice %arg20[%dma_start3A_108] : memref<10000xf32, #tpu.memory_space<vmem_shared>> -> memref<10000xf32, #tpu.memory_space<vmem_shared>>
    tpu.enqueue_indirect_dma source(%dma_start3A_109 : memref<10000xf32, #tpu.memory_space<vmem_shared>>) target(%dma_start3A_104 : memref<80xf32, #tpu.memory_space<vmem>>) offsets(%dma_start3A_107 : memref<80xi32, #tpu.memory_space<vmem>>) semaphore(%arg24 : memref<!tpu.dma_semaphore, #tpu.memory_space<semaphore_mem>>)
    %dma_wait3A_110 = arith.constant 0 : i32
    %dma_wait3A_111 = arith.constant 0 : i32
    %dma_wait3A_112 = tpu.memref_slice %arg12[%dma_wait3A_110, %dma_wait3A_111] : memref<2x80xf32, #tpu.memory_space<vmem>> -> memref<1x80xf32, #tpu.memory_space<vmem>>
    %dma_wait3A_113 = tpu.memref_squeeze %dma_wait3A_112 : memref<1x80xf32, #tpu.memory_space<vmem>> -> memref<80xf32, #tpu.memory_space<vmem>>
    %dma_wait3A_114 = arith.constant 0 : i32
    %dma_wait3A_115 = tpu.memref_slice %arg19[%dma_wait3A_114] : memref<10000xf32, #tpu.memory_space<vmem_shared>> -> memref<80xf32, #tpu.memory_space<vmem_shared>>
    %dma_wait3A_116 = arith.constant 0 : i32
    %dma_wait3A_117 = tpu.memref_slice %arg12[%dma_wait3A_110, %dma_wait3A_116] : memref<2x80xf32, #tpu.memory_space<vmem>> -> memref<1x80xf32, #tpu.memory_space<vmem>>
    %dma_wait3A_118 = tpu.memref_squeeze %dma_wait3A_117 : memref<1x80xf32, #tpu.memory_space<vmem>> -> memref<80xf32, #tpu.memory_space<vmem>>
    %dma_wait3A_119 = arith.constant 0 : i32
    %dma_wait3A_120 = tpu.memref_slice %arg19[%dma_wait3A_119] : memref<10000xf32, #tpu.memory_space<vmem_shared>> -> memref<80xf32, #tpu.memory_space<vmem_shared>>
    tpu.wait_dma2 semaphore(%arg24 : memref<!tpu.dma_semaphore, #tpu.memory_space<semaphore_mem>>) src(%dma_wait3A_120 : memref<80xf32, #tpu.memory_space<vmem_shared>>) dst(%dma_wait3A_118 : memref<80xf32, #tpu.memory_space<vmem>>)
    %dma_wait3A_121 = arith.constant 0 : i32
    %dma_wait3A_122 = arith.constant 0 : i32
    %dma_wait3A_123 = tpu.memref_slice %arg12[%dma_wait3A_121, %dma_wait3A_122] : memref<2x80xf32, #tpu.memory_space<vmem>> -> memref<1x80xf32, #tpu.memory_space<vmem>>
    %dma_wait3A_124 = tpu.memref_squeeze %dma_wait3A_123 : memref<1x80xf32, #tpu.memory_space<vmem>> -> memref<80xf32, #tpu.memory_space<vmem>>
    %dma_wait3A_125 = arith.constant 0 : i32
    %dma_wait3A_126 = tpu.memref_slice %arg19[%dma_wait3A_125] : memref<10000xf32, #tpu.memory_space<vmem_shared>> -> memref<80xf32, #tpu.memory_space<vmem_shared>>
    %dma_wait3A_127 = arith.constant 0 : i32
    %dma_wait3A_128 = tpu.memref_slice %arg12[%dma_wait3A_121, %dma_wait3A_127] : memref<2x80xf32, #tpu.memory_space<vmem>> -> memref<1x80xf32, #tpu.memory_space<vmem>>
    %dma_wait3A_129 = tpu.memref_squeeze %dma_wait3A_128 : memref<1x80xf32, #tpu.memory_space<vmem>> -> memref<80xf32, #tpu.memory_space<vmem>>
    %dma_wait3A_130 = arith.constant 0 : i32
    %dma_wait3A_131 = tpu.memref_slice %arg19[%dma_wait3A_130] : memref<10000xf32, #tpu.memory_space<vmem_shared>> -> memref<80xf32, #tpu.memory_space<vmem_shared>>
    tpu.wait_dma2 semaphore(%arg24 : memref<!tpu.dma_semaphore, #tpu.memory_space<semaphore_mem>>) src(%dma_wait3A_131 : memref<80xf32, #tpu.memory_space<vmem_shared>>) dst(%dma_wait3A_129 : memref<80xf32, #tpu.memory_space<vmem>>)
    %get3A = arith.constant 0 : i32
    %get3A_132 = arith.index_cast %get3A : i32 to index
    %get3A_133 = arith.constant 0 : index
    %get3A_134 = tpu.vector_load %arg12[%get3A_132, %get3A_133] {strides = array<i32>} : memref<2x80xf32, #tpu.memory_space<vmem>>, vector<16xf32>,
    %get3A_135 = arith.constant 0 : i32
    %get3A_136 = arith.index_cast %get3A_135 : i32 to index
    %get3A_137 = arith.constant 0 : index
    %get3A_138 = tpu.vector_load %arg13[%get3A_136, %get3A_137] {strides = array<i32>} : memref<2x80xf32, #tpu.memory_space<vmem>>, vector<16xf32>,
    %add3A_139 = arith.addf %get3A_134, %get3A_138 : vector<16xf32>
    %mul3A_140 = arith.constant 2.000000e-01 : f32
    %mul3A_141 = vector.broadcast %mul3A_140 : f32 to vector<16xf32>
    %mul3A_142 = arith.mulf %add3A_139, %mul3A_141 : vector<16xf32>
    %max3A = arith.maximumf %add3A_139, %mul3A_142 : vector<16xf32>
    %exp3A = math.exp %max3A : vector<16xf32>
    %swap3A = arith.constant 0 : i32
    %swap3A_143 = arith.index_cast %swap3A : i32 to index
    %swap3A_144 = arith.constant 0 : index
    %swap3A_145 = tpu.vector_load %arg14[%swap3A_143, %swap3A_144] {strides = array<i32>} : memref<2x80xf32, #tpu.memory_space<vmem>>, vector<16xf32>,
    tpu.vector_store %arg14[%swap3A_143, %swap3A_144], %exp3A {strides = array<i32>} : memref<2x80xf32, #tpu.memory_space<vmem>>, vector<16xf32>,
    %get3A_146 = arith.constant 0 : i32
    %get3A_147 = arith.index_cast %get3A_146 : i32 to index
    %get3A_148 = arith.constant 16 : index
    %get3A_149 = tpu.vector_load %arg12[%get3A_147, %get3A_148] {strides = array<i32>} : memref<2x80xf32, #tpu.memory_space<vmem>>, vector<16xf32>,
    %get3A_150 = arith.constant 0 : i32
    %get3A_151 = arith.index_cast %get3A_150 : i32 to index
    %get3A_152 = arith.constant 16 : index
    %get3A_153 = tpu.vector_load %arg13[%get3A_151, %get3A_152] {strides = array<i32>} : memref<2x80xf32, #tpu.memory_space<vmem>>, vector<16xf32>,
    %add3A_154 = arith.addf %get3A_149, %get3A_153 : vector<16xf32>
    %mul3A_155 = arith.constant 2.000000e-01 : f32
    %mul3A_156 = vector.broadcast %mul3A_155 : f32 to vector<16xf32>
    %mul3A_157 = arith.mulf %add3A_154, %mul3A_156 : vector<16xf32>
    %max3A_158 = arith.maximumf %add3A_154, %mul3A_157 : vector<16xf32>
    %exp3A_159 = math.exp %max3A_158 : vector<16xf32>
    %swap3A_160 = arith.constant 0 : i32
    %swap3A_161 = arith.index_cast %swap3A_160 : i32 to index
    %swap3A_162 = arith.constant 16 : index
    %swap3A_163 = tpu.vector_load %arg14[%swap3A_161, %swap3A_162] {strides = array<i32>} : memref<2x80xf32, #tpu.memory_space<vmem>>, vector<16xf32>,
    tpu.vector_store %arg14[%swap3A_161, %swap3A_162], %exp3A_159 {strides = array<i32>} : memref<2x80xf32, #tpu.memory_space<vmem>>, vector<16xf32>,
    %get3A_164 = arith.constant 0 : i32
    %get3A_165 = arith.index_cast %get3A_164 : i32 to index
    %get3A_166 = arith.constant 32 : index
    %get3A_167 = tpu.vector_load %arg12[%get3A_165, %get3A_166] {strides = array<i32>} : memref<2x80xf32, #tpu.memory_space<vmem>>, vector<16xf32>,
    %get3A_168 = arith.constant 0 : i32
    %get3A_169 = arith.index_cast %get3A_168 : i32 to index
    %get3A_170 = arith.constant 32 : index
    %get3A_171 = tpu.vector_load %arg13[%get3A_169, %get3A_170] {strides = array<i32>} : memref<2x80xf32, #tpu.memory_space<vmem>>, vector<16xf32>,
    %add3A_172 = arith.addf %get3A_167, %get3A_171 : vector<16xf32>
    %mul3A_173 = arith.constant 2.000000e-01 : f32
    %mul3A_174 = vector.broadcast %mul3A_173 : f32 to vector<16xf32>
    %mul3A_175 = arith.mulf %add3A_172, %mul3A_174 : vector<16xf32>
    %max3A_176 = arith.maximumf %add3A_172, %mul3A_175 : vector<16xf32>
    %exp3A_177 = math.exp %max3A_176 : vector<16xf32>
    %swap3A_178 = arith.constant 0 : i32
    %swap3A_179 = arith.index_cast %swap3A_178 : i32 to index
    %swap3A_180 = arith.constant 32 : index
    %swap3A_181 = tpu.vector_load %arg14[%swap3A_179, %swap3A_180] {strides = array<i32>} : memref<2x80xf32, #tpu.memory_space<vmem>>, vector<16xf32>,
    tpu.vector_store %arg14[%swap3A_179, %swap3A_180], %exp3A_177 {strides = array<i32>} : memref<2x80xf32, #tpu.memory_space<vmem>>, vector<16xf32>,
    %get3A_182 = arith.constant 0 : i32
    %get3A_183 = arith.index_cast %get3A_182 : i32 to index
    %get3A_184 = arith.constant 48 : index
    %get3A_185 = tpu.vector_load %arg12[%get3A_183, %get3A_184] {strides = array<i32>} : memref<2x80xf32, #tpu.memory_space<vmem>>, vector<16xf32>,
    %get3A_186 = arith.constant 0 : i32
    %get3A_187 = arith.index_cast %get3A_186 : i32 to index
    %get3A_188 = arith.constant 48 : index
    %get3A_189 = tpu.vector_load %arg13[%get3A_187, %get3A_188] {strides = array<i32>} : memref<2x80xf32, #tpu.memory_space<vmem>>, vector<16xf32>,
    %add3A_190 = arith.addf %get3A_185, %get3A_189 : vector<16xf32>
    %mul3A_191 = arith.constant 2.000000e-01 : f32
    %mul3A_192 = vector.broadcast %mul3A_191 : f32 to vector<16xf32>
    %mul3A_193 = arith.mulf %add3A_190, %mul3A_192 : vector<16xf32>
    %max3A_194 = arith.maximumf %add3A_190, %mul3A_193 : vector<16xf32>
    %exp3A_195 = math.exp %max3A_194 : vector<16xf32>
    %swap3A_196 = arith.constant 0 : i32
    %swap3A_197 = arith.index_cast %swap3A_196 : i32 to index
    %swap3A_198 = arith.constant 48 : index
    %swap3A_199 = tpu.vector_load %arg14[%swap3A_197, %swap3A_198] {strides = array<i32>} : memref<2x80xf32, #tpu.memory_space<vmem>>, vector<16xf32>,
    tpu.vector_store %arg14[%swap3A_197, %swap3A_198], %exp3A_195 {strides = array<i32>} : memref<2x80xf32, #tpu.memory_space<vmem>>, vector<16xf32>,
    %get3A_200 = arith.constant 0 : i32
    %get3A_201 = arith.index_cast %get3A_200 : i32 to index
    %get3A_202 = arith.constant 64 : index
    %get3A_203 = tpu.vector_load %arg12[%get3A_201, %get3A_202] {strides = array<i32>} : memref<2x80xf32, #tpu.memory_space<vmem>>, vector<16xf32>,
    %get3A_204 = arith.constant 0 : i32
    %get3A_205 = arith.index_cast %get3A_204 : i32 to index
    %get3A_206 = arith.constant 64 : index
    %get3A_207 = tpu.vector_load %arg13[%get3A_205, %get3A_206] {strides = array<i32>} : memref<2x80xf32, #tpu.memory_space<vmem>>, vector<16xf32>,
    %add3A_208 = arith.addf %get3A_203, %get3A_207 : vector<16xf32>
    %mul3A_209 = arith.constant 2.000000e-01 : f32
    %mul3A_210 = vector.broadcast %mul3A_209 : f32 to vector<16xf32>
    %mul3A_211 = arith.mulf %add3A_208, %mul3A_210 : vector<16xf32>
    %max3A_212 = arith.maximumf %add3A_208, %mul3A_211 : vector<16xf32>
    %exp3A_213 = math.exp %max3A_212 : vector<16xf32>
    %swap3A_214 = arith.constant 0 : i32
    %swap3A_215 = arith.index_cast %swap3A_214 : i32 to index
    %swap3A_216 = arith.constant 64 : index
    %swap3A_217 = tpu.vector_load %arg14[%swap3A_215, %swap3A_216] {strides = array<i32>} : memref<2x80xf32, #tpu.memory_space<vmem>>, vector<16xf32>,
    tpu.vector_store %arg14[%swap3A_215, %swap3A_216], %exp3A_213 {strides = array<i32>} : memref<2x80xf32, #tpu.memory_space<vmem>>, vector<16xf32>,
    %scan3A = arith.constant 0 : i32
    %scan3A_218 = arith.constant 0 : i32
    %scan3A_219 = arith.constant 125 : i32
    %scan3A_220 = arith.addi %scan3A_218, %scan3A_219 : i32
    %scan3A_221 = arith.constant 1 : i32
    scf.for %scan3A_250 = %scan3A_218 to %scan3A_220 step %scan3A_221  : i32 {
      %rem3A = arith.constant 4 : i32
      %rem3A_251 = arith.remsi %scan3A_250, %rem3A : i32
      %rem3A_252 = arith.constant 2 : i32
      %rem3A_253 = arith.remsi %scan3A_250, %rem3A_252 : i32
      %add3A_254 = arith.constant 1 : i32
      %add3A_255 = arith.addi %scan3A_250, %add3A_254 : i32
      %rem3A_256 = arith.constant 2 : i32
      %rem3A_257 = arith.remsi %add3A_255, %rem3A_256 : i32
      %dma_wait3A_258 = arith.constant 0 : i32
      %dma_wait3A_259 = arith.constant 0 : i32
      %dma_wait3A_260 = tpu.memref_slice %arg15[%rem3A_251, %dma_wait3A_258, %dma_wait3A_259] : memref<4x80x64xf32, #tpu.memory_space<vmem>> -> memref<1x80x64xf32, #tpu.memory_space<vmem>>
      %dma_wait3A_261 = tpu.memref_squeeze %dma_wait3A_260 : memref<1x80x64xf32, #tpu.memory_space<vmem>> -> memref<80x64xf32, #tpu.memory_space<vmem>>
      %dma_wait3A_262 = arith.constant 0 : i32
      %dma_wait3A_263 = arith.constant 0 : i32
      %dma_wait3A_264 = tpu.memref_slice %arg18[%dma_wait3A_262, %dma_wait3A_263] : memref<10000x64xf32, #tpu.memory_space<vmem_shared>> -> memref<80x64xf32, #tpu.memory_space<vmem_shared>>
      %dma_wait3A_265 = arith.constant 0 : i32
      %dma_wait3A_266 = arith.constant 0 : i32
      %dma_wait3A_267 = tpu.memref_slice %arg15[%rem3A_251, %dma_wait3A_265, %dma_wait3A_266] : memref<4x80x64xf32, #tpu.memory_space<vmem>> -> memref<1x80x64xf32, #tpu.memory_space<vmem>>
      %dma_wait3A_268 = tpu.memref_squeeze %dma_wait3A_267 : memref<1x80x64xf32, #tpu.memory_space<vmem>> -> memref<80x64xf32, #tpu.memory_space<vmem>>
      %dma_wait3A_269 = arith.constant 0 : i32
      %dma_wait3A_270 = arith.constant 0 : i32
      %dma_wait3A_271 = tpu.memref_slice %arg18[%dma_wait3A_269, %dma_wait3A_270] : memref<10000x64xf32, #tpu.memory_space<vmem_shared>> -> memref<80x64xf32, #tpu.memory_space<vmem_shared>>
      tpu.wait_dma2 semaphore(%arg21 : memref<!tpu.dma_semaphore, #tpu.memory_space<semaphore_mem>>) src(%dma_wait3A_271 : memref<80x64xf32, #tpu.memory_space<vmem_shared>>) dst(%dma_wait3A_268 : memref<80x64xf32, #tpu.memory_space<vmem>>)
      %ge3A = arith.constant 1 : i32
      %ge3A_272 = arith.cmpi sge, %scan3A_250, %ge3A : i32
      %convert_element_type3A_273 = arith.extui %ge3A_272 : i1 to i32
      %cond3A_274 = arith.constant 0 : i32
      %cond3A_275 = arith.cmpi ne, %convert_element_type3A_273, %cond3A_274 : i32
      scf.if %cond3A_275 {
        %dma_wait3A_321 = arith.constant 0 : i32
        %dma_wait3A_322 = arith.constant 0 : i32
        %dma_wait3A_323 = arith.constant 0 : i32
        %dma_wait3A_324 = tpu.memref_slice %arg15[%dma_wait3A_321, %dma_wait3A_322, %dma_wait3A_323] : memref<4x80x64xf32, #tpu.memory_space<vmem>> -> memref<1x80x64xf32, #tpu.memory_space<vmem>>
        %dma_wait3A_325 = tpu.memref_squeeze %dma_wait3A_324 : memref<1x80x64xf32, #tpu.memory_space<vmem>> -> memref<80x64xf32, #tpu.memory_space<vmem>>
        %dma_wait3A_326 = arith.constant 0 : i32
        %dma_wait3A_327 = arith.constant 0 : i32
        %dma_wait3A_328 = tpu.memref_slice %arg16[%dma_wait3A_326, %dma_wait3A_327] : memref<10240x64xf32, #tpu.memory_space<vmem_shared>> -> memref<80x64xf32, #tpu.memory_space<vmem_shared>>
        %dma_wait3A_329 = arith.constant 0 : i32
        %dma_wait3A_330 = arith.constant 0 : i32
        %dma_wait3A_331 = tpu.memref_slice %arg16[%dma_wait3A_329, %dma_wait3A_330] : memref<10240x64xf32, #tpu.memory_space<vmem_shared>> -> memref<80x64xf32, #tpu.memory_space<vmem_shared>>
        %dma_wait3A_332 = arith.constant 0 : i32
        %dma_wait3A_333 = arith.constant 0 : i32
        %dma_wait3A_334 = tpu.memref_slice %arg15[%dma_wait3A_321, %dma_wait3A_332, %dma_wait3A_333] : memref<4x80x64xf32, #tpu.memory_space<vmem>> -> memref<1x80x64xf32, #tpu.memory_space<vmem>>
        %dma_wait3A_335 = tpu.memref_squeeze %dma_wait3A_334 : memref<1x80x64xf32, #tpu.memory_space<vmem>> -> memref<80x64xf32, #tpu.memory_space<vmem>>
        tpu.wait_dma2 semaphore(%arg22 : memref<!tpu.dma_semaphore, #tpu.memory_space<semaphore_mem>>) src(%dma_wait3A_335 : memref<80x64xf32, #tpu.memory_space<vmem>>) dst(%dma_wait3A_331 : memref<80x64xf32, #tpu.memory_space<vmem_shared>>)
        %dma_wait3A_336 = arith.constant 0 : i32
        %dma_wait3A_337 = arith.constant 0 : i32
        %dma_wait3A_338 = tpu.memref_slice %arg14[%dma_wait3A_336, %dma_wait3A_337] : memref<2x80xf32, #tpu.memory_space<vmem>> -> memref<1x80xf32, #tpu.memory_space<vmem>>
        %dma_wait3A_339 = tpu.memref_squeeze %dma_wait3A_338 : memref<1x80xf32, #tpu.memory_space<vmem>> -> memref<80xf32, #tpu.memory_space<vmem>>
        %dma_wait3A_340 = arith.constant 0 : i32
        %dma_wait3A_341 = tpu.memref_slice %arg17[%dma_wait3A_340] : memref<10240xf32, #tpu.memory_space<vmem_shared>> -> memref<80xf32, #tpu.memory_space<vmem_shared>>
        %dma_wait3A_342 = arith.constant 0 : i32
        %dma_wait3A_343 = tpu.memref_slice %arg17[%dma_wait3A_342] : memref<10240xf32, #tpu.memory_space<vmem_shared>> -> memref<80xf32, #tpu.memory_space<vmem_shared>>
        %dma_wait3A_344 = arith.constant 0 : i32
        %dma_wait3A_345 = tpu.memref_slice %arg14[%dma_wait3A_336, %dma_wait3A_344] : memref<2x80xf32, #tpu.memory_space<vmem>> -> memref<1x80xf32, #tpu.memory_space<vmem>>
        %dma_wait3A_346 = tpu.memref_squeeze %dma_wait3A_345 : memref<1x80xf32, #tpu.memory_space<vmem>> -> memref<80xf32, #tpu.memory_space<vmem>>
        tpu.wait_dma2 semaphore(%arg23 : memref<!tpu.dma_semaphore, #tpu.memory_space<semaphore_mem>>) src(%dma_wait3A_346 : memref<80xf32, #tpu.memory_space<vmem>>) dst(%dma_wait3A_343 : memref<80xf32, #tpu.memory_space<vmem_shared>>)
      } else {
      }
      %add3A_276 = arith.constant 3 : i32
      %add3A_277 = arith.addi %scan3A_250, %add3A_276 : i32
      %lt3A_278 = arith.constant 125 : i32
      %lt3A_279 = arith.cmpi slt, %add3A_277, %lt3A_278 : i32
      %convert_element_type3A_280 = arith.extui %lt3A_279 : i1 to i32
      %cond3A_281 = arith.constant 0 : i32
      %cond3A_282 = arith.cmpi ne, %convert_element_type3A_280, %cond3A_281 : i32
      scf.if %cond3A_282 {
        %add3A_321 = arith.constant 3 : i32
        %add3A_322 = arith.addi %scan3A_250, %add3A_321 : i32
        %add3A_323 = arith.constant 3 : i32
        %add3A_324 = arith.addi %scan3A_250, %add3A_323 : i32
        %rem3A_325 = arith.constant 4 : i32
        %rem3A_326 = arith.remsi %add3A_324, %rem3A_325 : i32
        %dma_start3A_327 = arith.constant 0 : i32
        %dma_start3A_328 = arith.constant 0 : i32
        %dma_start3A_329 = tpu.memref_slice %arg15[%rem3A_326, %dma_start3A_327, %dma_start3A_328] : memref<4x80x64xf32, #tpu.memory_space<vmem>> -> memref<1x80x64xf32, #tpu.memory_space<vmem>>
        %dma_start3A_330 = tpu.memref_squeeze %dma_start3A_329 : memref<1x80x64xf32, #tpu.memory_space<vmem>> -> memref<80x64xf32, #tpu.memory_space<vmem>>
        %dma_start3A_331 = arith.constant 0 : i32
        %dma_start3A_332 = tpu.memref_slice %arg10[%add3A_322, %dma_start3A_331] : memref<125x80xi32, #tpu.memory_space<vmem>> -> memref<1x80xi32, #tpu.memory_space<vmem>>
        %dma_start3A_333 = tpu.memref_squeeze %dma_start3A_332 : memref<1x80xi32, #tpu.memory_space<vmem>> -> memref<80xi32, #tpu.memory_space<vmem>>
        %dma_start3A_334 = arith.constant 0 : i32
        %dma_start3A_335 = arith.constant 0 : i32
        %dma_start3A_336 = tpu.memref_slice %arg18[%dma_start3A_334, %dma_start3A_335] : memref<10000x64xf32, #tpu.memory_space<vmem_shared>> -> memref<10000x64xf32, #tpu.memory_space<vmem_shared>>
        tpu.enqueue_indirect_dma source(%dma_start3A_336 : memref<10000x64xf32, #tpu.memory_space<vmem_shared>>) target(%dma_start3A_330 : memref<80x64xf32, #tpu.memory_space<vmem>>) offsets(%dma_start3A_333 : memref<80xi32, #tpu.memory_space<vmem>>) semaphore(%arg21 : memref<!tpu.dma_semaphore, #tpu.memory_space<semaphore_mem>>)
      } else {
      }
      %add3A_283 = arith.constant 1 : i32
      %add3A_284 = arith.addi %scan3A_250, %add3A_283 : i32
      %lt3A_285 = arith.constant 125 : i32
      %lt3A_286 = arith.cmpi slt, %add3A_284, %lt3A_285 : i32
      %convert_element_type3A_287 = arith.extui %lt3A_286 : i1 to i32
      %cond3A_288 = arith.constant 0 : i32
      %cond3A_289 = arith.cmpi ne, %convert_element_type3A_287, %cond3A_288 : i32
      scf.if %cond3A_289 {
        %add3A_321 = arith.constant 1 : i32
        %add3A_322 = arith.addi %scan3A_250, %add3A_321 : i32
        %dma_start3A_323 = arith.constant 0 : i32
        %dma_start3A_324 = tpu.memref_slice %arg12[%rem3A_257, %dma_start3A_323] : memref<2x80xf32, #tpu.memory_space<vmem>> -> memref<1x80xf32, #tpu.memory_space<vmem>>
        %dma_start3A_325 = tpu.memref_squeeze %dma_start3A_324 : memref<1x80xf32, #tpu.memory_space<vmem>> -> memref<80xf32, #tpu.memory_space<vmem>>
        %dma_start3A_326 = arith.constant 0 : i32
        %dma_start3A_327 = tpu.memref_slice %arg10[%add3A_322, %dma_start3A_326] : memref<125x80xi32, #tpu.memory_space<vmem>> -> memref<1x80xi32, #tpu.memory_space<vmem>>
        %dma_start3A_328 = tpu.memref_squeeze %dma_start3A_327 : memref<1x80xi32, #tpu.memory_space<vmem>> -> memref<80xi32, #tpu.memory_space<vmem>>
        %dma_start3A_329 = arith.constant 0 : i32
        %dma_start3A_330 = tpu.memref_slice %arg19[%dma_start3A_329] : memref<10000xf32, #tpu.memory_space<vmem_shared>> -> memref<10000xf32, #tpu.memory_space<vmem_shared>>
        tpu.enqueue_indirect_dma source(%dma_start3A_330 : memref<10000xf32, #tpu.memory_space<vmem_shared>>) target(%dma_start3A_325 : memref<80xf32, #tpu.memory_space<vmem>>) offsets(%dma_start3A_328 : memref<80xi32, #tpu.memory_space<vmem>>) semaphore(%arg24 : memref<!tpu.dma_semaphore, #tpu.memory_space<semaphore_mem>>)
        %dma_start3A_331 = arith.constant 0 : i32
        %dma_start3A_332 = tpu.memref_slice %arg13[%rem3A_257, %dma_start3A_331] : memref<2x80xf32, #tpu.memory_space<vmem>> -> memref<1x80xf32, #tpu.memory_space<vmem>>
        %dma_start3A_333 = tpu.memref_squeeze %dma_start3A_332 : memref<1x80xf32, #tpu.memory_space<vmem>> -> memref<80xf32, #tpu.memory_space<vmem>>
        %dma_start3A_334 = arith.constant 0 : i32
        %dma_start3A_335 = tpu.memref_slice %arg11[%add3A_322, %dma_start3A_334] : memref<125x80xi32, #tpu.memory_space<vmem>> -> memref<1x80xi32, #tpu.memory_space<vmem>>
        %dma_start3A_336 = tpu.memref_squeeze %dma_start3A_335 : memref<1x80xi32, #tpu.memory_space<vmem>> -> memref<80xi32, #tpu.memory_space<vmem>>
        %dma_start3A_337 = arith.constant 0 : i32
        %dma_start3A_338 = tpu.memref_slice %arg20[%dma_start3A_337] : memref<10000xf32, #tpu.memory_space<vmem_shared>> -> memref<10000xf32, #tpu.memory_space<vmem_shared>>
        tpu.enqueue_indirect_dma source(%dma_start3A_338 : memref<10000xf32, #tpu.memory_space<vmem_shared>>) target(%dma_start3A_333 : memref<80xf32, #tpu.memory_space<vmem>>) offsets(%dma_start3A_336 : memref<80xi32, #tpu.memory_space<vmem>>) semaphore(%arg24 : memref<!tpu.dma_semaphore, #tpu.memory_space<semaphore_mem>>)
      } else {
      }
      %dma_start3A_290 = arith.constant 0 : i32
      %dma_start3A_291 = tpu.memref_slice %arg14[%rem3A_253, %dma_start3A_290] : memref<2x80xf32, #tpu.memory_space<vmem>> -> memref<1x80xf32, #tpu.memory_space<vmem>>
      %dma_start3A_292 = tpu.memref_squeeze %dma_start3A_291 : memref<1x80xf32, #tpu.memory_space<vmem>> -> memref<80xf32, #tpu.memory_space<vmem>>
      %dma_start3A_293 = arith.constant 0 : i32
      %dma_start3A_294 = tpu.memref_slice %arg11[%scan3A_250, %dma_start3A_293] : memref<125x80xi32, #tpu.memory_space<vmem>> -> memref<1x80xi32, #tpu.memory_space<vmem>>
      %dma_start3A_295 = tpu.memref_squeeze %dma_start3A_294 : memref<1x80xi32, #tpu.memory_space<vmem>> -> memref<80xi32, #tpu.memory_space<vmem>>
      %dma_start3A_296 = arith.constant 0 : i32
      %dma_start3A_297 = tpu.memref_slice %arg17[%dma_start3A_296] : memref<10240xf32, #tpu.memory_space<vmem_shared>> -> memref<10240xf32, #tpu.memory_space<vmem_shared>>
      tpu.enqueue_indirect_dma source(%dma_start3A_292 : memref<80xf32, #tpu.memory_space<vmem>>) target(%dma_start3A_297 : memref<10240xf32, #tpu.memory_space<vmem_shared>>) offsets(%dma_start3A_295 : memref<80xi32, #tpu.memory_space<vmem>>) semaphore(%arg23 : memref<!tpu.dma_semaphore, #tpu.memory_space<semaphore_mem>>) {add = true}
      %broadcast_in_dim3A = vector.broadcast %rem3A_253 : i32 to vector<16xi32>
      %scan3A_298 = arith.constant 0 : i32
      %scan3A_299 = arith.constant 0 : i32
      %scan3A_300 = arith.constant 80 : i32
      %scan3A_301 = arith.addi %scan3A_299, %scan3A_300 : i32
      %scan3A_302 = arith.constant 2 : i32
      scf.for %scan3A_321 = %scan3A_299 to %scan3A_301 step %scan3A_302  : i32 {
        %broadcast_in_dim3A_322 = vector.broadcast %scan3A_321 : i32 to vector<16xi32>
        %gather3A = tpu.vector_load_idx %arg14[%broadcast_in_dim3A, %broadcast_in_dim3A_322] : memref<2x80xf32, #tpu.memory_space<vmem>>[vector<16xi32>, vector<16xi32>], vector<16xf32>,
        %get3A_323 = arith.index_cast %rem3A_251 : i32 to index
        %get3A_324 = arith.index_cast %scan3A_321 : i32 to index
        %get3A_325 = arith.constant 0 : index
        %get3A_326 = tpu.vector_load %arg15[%get3A_323, %get3A_324, %get3A_325] {strides = array<i32>} : memref<4x80x64xf32, #tpu.memory_space<vmem>>, vector<16xf32>,
        %mul3A_327 = arith.mulf %get3A_326, %gather3A : vector<16xf32>
        %swap3A_328 = arith.index_cast %rem3A_251 : i32 to index
        %swap3A_329 = arith.index_cast %scan3A_321 : i32 to index
        %swap3A_330 = arith.constant 0 : index
        %swap3A_331 = tpu.vector_load %arg15[%swap3A_328, %swap3A_329, %swap3A_330] {strides = array<i32>} : memref<4x80x64xf32, #tpu.memory_space<vmem>>, vector<16xf32>,
        tpu.vector_store %arg15[%swap3A_328, %swap3A_329, %swap3A_330], %mul3A_327 {strides = array<i32>} : memref<4x80x64xf32, #tpu.memory_space<vmem>>, vector<16xf32>,
        %get3A_332 = arith.index_cast %rem3A_251 : i32 to index
        %get3A_333 = arith.index_cast %scan3A_321 : i32 to index
        %get3A_334 = arith.constant 16 : index
        %get3A_335 = tpu.vector_load %arg15[%get3A_332, %get3A_333, %get3A_334] {strides = array<i32>} : memref<4x80x64xf32, #tpu.memory_space<vmem>>, vector<16xf32>,
        %mul3A_336 = arith.mulf %get3A_335, %gather3A : vector<16xf32>
        %swap3A_337 = arith.index_cast %rem3A_251 : i32 to index
        %swap3A_338 = arith.index_cast %scan3A_321 : i32 to index
        %swap3A_339 = arith.constant 16 : index
        %swap3A_340 = tpu.vector_load %arg15[%swap3A_337, %swap3A_338, %swap3A_339] {strides = array<i32>} : memref<4x80x64xf32, #tpu.memory_space<vmem>>, vector<16xf32>,
        tpu.vector_store %arg15[%swap3A_337, %swap3A_338, %swap3A_339], %mul3A_336 {strides = array<i32>} : memref<4x80x64xf32, #tpu.memory_space<vmem>>, vector<16xf32>,
        %get3A_341 = arith.index_cast %rem3A_251 : i32 to index
        %get3A_342 = arith.index_cast %scan3A_321 : i32 to index
        %get3A_343 = arith.constant 32 : index
        %get3A_344 = tpu.vector_load %arg15[%get3A_341, %get3A_342, %get3A_343] {strides = array<i32>} : memref<4x80x64xf32, #tpu.memory_space<vmem>>, vector<16xf32>,
        %mul3A_345 = arith.mulf %get3A_344, %gather3A : vector<16xf32>
        %swap3A_346 = arith.index_cast %rem3A_251 : i32 to index
        %swap3A_347 = arith.index_cast %scan3A_321 : i32 to index
        %swap3A_348 = arith.constant 32 : index
        %swap3A_349 = tpu.vector_load %arg15[%swap3A_346, %swap3A_347, %swap3A_348] {strides = array<i32>} : memref<4x80x64xf32, #tpu.memory_space<vmem>>, vector<16xf32>,
        tpu.vector_store %arg15[%swap3A_346, %swap3A_347, %swap3A_348], %mul3A_345 {strides = array<i32>} : memref<4x80x64xf32, #tpu.memory_space<vmem>>, vector<16xf32>,
        %get3A_350 = arith.index_cast %rem3A_251 : i32 to index
        %get3A_351 = arith.index_cast %scan3A_321 : i32 to index
        %get3A_352 = arith.constant 48 : index
        %get3A_353 = tpu.vector_load %arg15[%get3A_350, %get3A_351, %get3A_352] {strides = array<i32>} : memref<4x80x64xf32, #tpu.memory_space<vmem>>, vector<16xf32>,
        %mul3A_354 = arith.mulf %get3A_353, %gather3A : vector<16xf32>
        %swap3A_355 = arith.index_cast %rem3A_251 : i32 to index
        %swap3A_356 = arith.index_cast %scan3A_321 : i32 to index
        %swap3A_357 = arith.constant 48 : index
        %swap3A_358 = tpu.vector_load %arg15[%swap3A_355, %swap3A_356, %swap3A_357] {strides = array<i32>} : memref<4x80x64xf32, #tpu.memory_space<vmem>>, vector<16xf32>,
        tpu.vector_store %arg15[%swap3A_355, %swap3A_356, %swap3A_357], %mul3A_354 {strides = array<i32>} : memref<4x80x64xf32, #tpu.memory_space<vmem>>, vector<16xf32>,
        %scan3A_359 = arith.constant 1 : i32
        %scan3A_360 = arith.addi %scan3A_321, %scan3A_359 : i32
        %broadcast_in_dim3A_361 = vector.broadcast %scan3A_360 : i32 to vector<16xi32>
        %gather3A_362 = tpu.vector_load_idx %arg14[%broadcast_in_dim3A, %broadcast_in_dim3A_361] : memref<2x80xf32, #tpu.memory_space<vmem>>[vector<16xi32>, vector<16xi32>], vector<16xf32>,
        %get3A_363 = arith.index_cast %rem3A_251 : i32 to index
        %get3A_364 = arith.index_cast %scan3A_360 : i32 to index
        %get3A_365 = arith.constant 0 : index
        %get3A_366 = tpu.vector_load %arg15[%get3A_363, %get3A_364, %get3A_365] {strides = array<i32>} : memref<4x80x64xf32, #tpu.memory_space<vmem>>, vector<16xf32>,
        %mul3A_367 = arith.mulf %get3A_366, %gather3A_362 : vector<16xf32>
        %swap3A_368 = arith.index_cast %rem3A_251 : i32 to index
        %swap3A_369 = arith.index_cast %scan3A_360 : i32 to index
        %swap3A_370 = arith.constant 0 : index
        %swap3A_371 = tpu.vector_load %arg15[%swap3A_368, %swap3A_369, %swap3A_370] {strides = array<i32>} : memref<4x80x64xf32, #tpu.memory_space<vmem>>, vector<16xf32>,
        tpu.vector_store %arg15[%swap3A_368, %swap3A_369, %swap3A_370], %mul3A_367 {strides = array<i32>} : memref<4x80x64xf32, #tpu.memory_space<vmem>>, vector<16xf32>,
        %get3A_372 = arith.index_cast %rem3A_251 : i32 to index
        %get3A_373 = arith.index_cast %scan3A_360 : i32 to index
        %get3A_374 = arith.constant 16 : index
        %get3A_375 = tpu.vector_load %arg15[%get3A_372, %get3A_373, %get3A_374] {strides = array<i32>} : memref<4x80x64xf32, #tpu.memory_space<vmem>>, vector<16xf32>,
        %mul3A_376 = arith.mulf %get3A_375, %gather3A_362 : vector<16xf32>
        %swap3A_377 = arith.index_cast %rem3A_251 : i32 to index
        %swap3A_378 = arith.index_cast %scan3A_360 : i32 to index
        %swap3A_379 = arith.constant 16 : index
        %swap3A_380 = tpu.vector_load %arg15[%swap3A_377, %swap3A_378, %swap3A_379] {strides = array<i32>} : memref<4x80x64xf32, #tpu.memory_space<vmem>>, vector<16xf32>,
        tpu.vector_store %arg15[%swap3A_377, %swap3A_378, %swap3A_379], %mul3A_376 {strides = array<i32>} : memref<4x80x64xf32, #tpu.memory_space<vmem>>, vector<16xf32>,
        %get3A_381 = arith.index_cast %rem3A_251 : i32 to index
        %get3A_382 = arith.index_cast %scan3A_360 : i32 to index
        %get3A_383 = arith.constant 32 : index
        %get3A_384 = tpu.vector_load %arg15[%get3A_381, %get3A_382, %get3A_383] {strides = array<i32>} : memref<4x80x64xf32, #tpu.memory_space<vmem>>, vector<16xf32>,
        %mul3A_385 = arith.mulf %get3A_384, %gather3A_362 : vector<16xf32>
        %swap3A_386 = arith.index_cast %rem3A_251 : i32 to index
        %swap3A_387 = arith.index_cast %scan3A_360 : i32 to index
        %swap3A_388 = arith.constant 32 : index
        %swap3A_389 = tpu.vector_load %arg15[%swap3A_386, %swap3A_387, %swap3A_388] {strides = array<i32>} : memref<4x80x64xf32, #tpu.memory_space<vmem>>, vector<16xf32>,
        tpu.vector_store %arg15[%swap3A_386, %swap3A_387, %swap3A_388], %mul3A_385 {strides = array<i32>} : memref<4x80x64xf32, #tpu.memory_space<vmem>>, vector<16xf32>,
        %get3A_390 = arith.index_cast %rem3A_251 : i32 to index
        %get3A_391 = arith.index_cast %scan3A_360 : i32 to index
        %get3A_392 = arith.constant 48 : index
        %get3A_393 = tpu.vector_load %arg15[%get3A_390, %get3A_391, %get3A_392] {strides = array<i32>} : memref<4x80x64xf32, #tpu.memory_space<vmem>>, vector<16xf32>,
        %mul3A_394 = arith.mulf %get3A_393, %gather3A_362 : vector<16xf32>
        %swap3A_395 = arith.index_cast %rem3A_251 : i32 to index
        %swap3A_396 = arith.index_cast %scan3A_360 : i32 to index
        %swap3A_397 = arith.constant 48 : index
        %swap3A_398 = tpu.vector_load %arg15[%swap3A_395, %swap3A_396, %swap3A_397] {strides = array<i32>} : memref<4x80x64xf32, #tpu.memory_space<vmem>>, vector<16xf32>,
        tpu.vector_store %arg15[%swap3A_395, %swap3A_396, %swap3A_397], %mul3A_394 {strides = array<i32>} : memref<4x80x64xf32, #tpu.memory_space<vmem>>, vector<16xf32>,
      }
      %scan3A_303 = arith.constant 80 : i32
      %add3A_304 = arith.constant 1 : i32
      %add3A_305 = arith.addi %scan3A_250, %add3A_304 : i32
      %lt3A_306 = arith.constant 125 : i32
      %lt3A_307 = arith.cmpi slt, %add3A_305, %lt3A_306 : i32
      %convert_element_type3A_308 = arith.extui %lt3A_307 : i1 to i32
      %cond3A_309 = arith.constant 0 : i32
      %cond3A_310 = arith.cmpi ne, %convert_element_type3A_308, %cond3A_309 : i32
      scf.if %cond3A_310 {
        %add3A_321 = arith.constant 1 : i32
        %add3A_322 = arith.addi %scan3A_250, %add3A_321 : i32
        %dma_wait3A_323 = arith.constant 0 : i32
        %dma_wait3A_324 = tpu.memref_slice %arg12[%rem3A_257, %dma_wait3A_323] : memref<2x80xf32, #tpu.memory_space<vmem>> -> memref<1x80xf32, #tpu.memory_space<vmem>>
        %dma_wait3A_325 = tpu.memref_squeeze %dma_wait3A_324 : memref<1x80xf32, #tpu.memory_space<vmem>> -> memref<80xf32, #tpu.memory_space<vmem>>
        %dma_wait3A_326 = arith.constant 0 : i32
        %dma_wait3A_327 = tpu.memref_slice %arg19[%dma_wait3A_326] : memref<10000xf32, #tpu.memory_space<vmem_shared>> -> memref<80xf32, #tpu.memory_space<vmem_shared>>
        %dma_wait3A_328 = arith.constant 0 : i32
        %dma_wait3A_329 = tpu.memref_slice %arg12[%rem3A_257, %dma_wait3A_328] : memref<2x80xf32, #tpu.memory_space<vmem>> -> memref<1x80xf32, #tpu.memory_space<vmem>>
        %dma_wait3A_330 = tpu.memref_squeeze %dma_wait3A_329 : memref<1x80xf32, #tpu.memory_space<vmem>> -> memref<80xf32, #tpu.memory_space<vmem>>
        %dma_wait3A_331 = arith.constant 0 : i32
        %dma_wait3A_332 = tpu.memref_slice %arg19[%dma_wait3A_331] : memref<10000xf32, #tpu.memory_space<vmem_shared>> -> memref<80xf32, #tpu.memory_space<vmem_shared>>
        tpu.wait_dma2 semaphore(%arg24 : memref<!tpu.dma_semaphore, #tpu.memory_space<semaphore_mem>>) src(%dma_wait3A_332 : memref<80xf32, #tpu.memory_space<vmem_shared>>) dst(%dma_wait3A_330 : memref<80xf32, #tpu.memory_space<vmem>>)
        %dma_wait3A_333 = arith.constant 0 : i32
        %dma_wait3A_334 = tpu.memref_slice %arg12[%rem3A_257, %dma_wait3A_333] : memref<2x80xf32, #tpu.memory_space<vmem>> -> memref<1x80xf32, #tpu.memory_space<vmem>>
        %dma_wait3A_335 = tpu.memref_squeeze %dma_wait3A_334 : memref<1x80xf32, #tpu.memory_space<vmem>> -> memref<80xf32, #tpu.memory_space<vmem>>
        %dma_wait3A_336 = arith.constant 0 : i32
        %dma_wait3A_337 = tpu.memref_slice %arg19[%dma_wait3A_336] : memref<10000xf32, #tpu.memory_space<vmem_shared>> -> memref<80xf32, #tpu.memory_space<vmem_shared>>
        %dma_wait3A_338 = arith.constant 0 : i32
        %dma_wait3A_339 = tpu.memref_slice %arg12[%rem3A_257, %dma_wait3A_338] : memref<2x80xf32, #tpu.memory_space<vmem>> -> memref<1x80xf32, #tpu.memory_space<vmem>>
        %dma_wait3A_340 = tpu.memref_squeeze %dma_wait3A_339 : memref<1x80xf32, #tpu.memory_space<vmem>> -> memref<80xf32, #tpu.memory_space<vmem>>
        %dma_wait3A_341 = arith.constant 0 : i32
        %dma_wait3A_342 = tpu.memref_slice %arg19[%dma_wait3A_341] : memref<10000xf32, #tpu.memory_space<vmem_shared>> -> memref<80xf32, #tpu.memory_space<vmem_shared>>
        tpu.wait_dma2 semaphore(%arg24 : memref<!tpu.dma_semaphore, #tpu.memory_space<semaphore_mem>>) src(%dma_wait3A_342 : memref<80xf32, #tpu.memory_space<vmem_shared>>) dst(%dma_wait3A_340 : memref<80xf32, #tpu.memory_space<vmem>>)
        %get3A_343 = arith.index_cast %rem3A_257 : i32 to index
        %get3A_344 = arith.constant 0 : index
        %get3A_345 = tpu.vector_load %arg12[%get3A_343, %get3A_344] {strides = array<i32>} : memref<2x80xf32, #tpu.memory_space<vmem>>, vector<16xf32>,
        %get3A_346 = arith.index_cast %rem3A_257 : i32 to index
        %get3A_347 = arith.constant 0 : index
        %get3A_348 = tpu.vector_load %arg13[%get3A_346, %get3A_347] {strides = array<i32>} : memref<2x80xf32, #tpu.memory_space<vmem>>, vector<16xf32>,
        %add3A_349 = arith.addf %get3A_345, %get3A_348 : vector<16xf32>
        %mul3A_350 = arith.constant 2.000000e-01 : f32
        %mul3A_351 = vector.broadcast %mul3A_350 : f32 to vector<16xf32>
        %mul3A_352 = arith.mulf %add3A_349, %mul3A_351 : vector<16xf32>
        %max3A_353 = arith.maximumf %add3A_349, %mul3A_352 : vector<16xf32>
        %exp3A_354 = math.exp %max3A_353 : vector<16xf32>
        %swap3A_355 = arith.index_cast %rem3A_257 : i32 to index
        %swap3A_356 = arith.constant 0 : index
        %swap3A_357 = tpu.vector_load %arg14[%swap3A_355, %swap3A_356] {strides = array<i32>} : memref<2x80xf32, #tpu.memory_space<vmem>>, vector<16xf32>,
        tpu.vector_store %arg14[%swap3A_355, %swap3A_356], %exp3A_354 {strides = array<i32>} : memref<2x80xf32, #tpu.memory_space<vmem>>, vector<16xf32>,
        %get3A_358 = arith.index_cast %rem3A_257 : i32 to index
        %get3A_359 = arith.constant 16 : index
        %get3A_360 = tpu.vector_load %arg12[%get3A_358, %get3A_359] {strides = array<i32>} : memref<2x80xf32, #tpu.memory_space<vmem>>, vector<16xf32>,
        %get3A_361 = arith.index_cast %rem3A_257 : i32 to index
        %get3A_362 = arith.constant 16 : index
        %get3A_363 = tpu.vector_load %arg13[%get3A_361, %get3A_362] {strides = array<i32>} : memref<2x80xf32, #tpu.memory_space<vmem>>, vector<16xf32>,
        %add3A_364 = arith.addf %get3A_360, %get3A_363 : vector<16xf32>
        %mul3A_365 = arith.constant 2.000000e-01 : f32
        %mul3A_366 = vector.broadcast %mul3A_365 : f32 to vector<16xf32>
        %mul3A_367 = arith.mulf %add3A_364, %mul3A_366 : vector<16xf32>
        %max3A_368 = arith.maximumf %add3A_364, %mul3A_367 : vector<16xf32>
        %exp3A_369 = math.exp %max3A_368 : vector<16xf32>
        %swap3A_370 = arith.index_cast %rem3A_257 : i32 to index
        %swap3A_371 = arith.constant 16 : index
        %swap3A_372 = tpu.vector_load %arg14[%swap3A_370, %swap3A_371] {strides = array<i32>} : memref<2x80xf32, #tpu.memory_space<vmem>>, vector<16xf32>,
        tpu.vector_store %arg14[%swap3A_370, %swap3A_371], %exp3A_369 {strides = array<i32>} : memref<2x80xf32, #tpu.memory_space<vmem>>, vector<16xf32>,
        %get3A_373 = arith.index_cast %rem3A_257 : i32 to index
        %get3A_374 = arith.constant 32 : index
        %get3A_375 = tpu.vector_load %arg12[%get3A_373, %get3A_374] {strides = array<i32>} : memref<2x80xf32, #tpu.memory_space<vmem>>, vector<16xf32>,
        %get3A_376 = arith.index_cast %rem3A_257 : i32 to index
        %get3A_377 = arith.constant 32 : index
        %get3A_378 = tpu.vector_load %arg13[%get3A_376, %get3A_377] {strides = array<i32>} : memref<2x80xf32, #tpu.memory_space<vmem>>, vector<16xf32>,
        %add3A_379 = arith.addf %get3A_375, %get3A_378 : vector<16xf32>
        %mul3A_380 = arith.constant 2.000000e-01 : f32
        %mul3A_381 = vector.broadcast %mul3A_380 : f32 to vector<16xf32>
        %mul3A_382 = arith.mulf %add3A_379, %mul3A_381 : vector<16xf32>
        %max3A_383 = arith.maximumf %add3A_379, %mul3A_382 : vector<16xf32>
        %exp3A_384 = math.exp %max3A_383 : vector<16xf32>
        %swap3A_385 = arith.index_cast %rem3A_257 : i32 to index
        %swap3A_386 = arith.constant 32 : index
        %swap3A_387 = tpu.vector_load %arg14[%swap3A_385, %swap3A_386] {strides = array<i32>} : memref<2x80xf32, #tpu.memory_space<vmem>>, vector<16xf32>,
        tpu.vector_store %arg14[%swap3A_385, %swap3A_386], %exp3A_384 {strides = array<i32>} : memref<2x80xf32, #tpu.memory_space<vmem>>, vector<16xf32>,
        %get3A_388 = arith.index_cast %rem3A_257 : i32 to index
        %get3A_389 = arith.constant 48 : index
        %get3A_390 = tpu.vector_load %arg12[%get3A_388, %get3A_389] {strides = array<i32>} : memref<2x80xf32, #tpu.memory_space<vmem>>, vector<16xf32>,
        %get3A_391 = arith.index_cast %rem3A_257 : i32 to index
        %get3A_392 = arith.constant 48 : index
        %get3A_393 = tpu.vector_load %arg13[%get3A_391, %get3A_392] {strides = array<i32>} : memref<2x80xf32, #tpu.memory_space<vmem>>, vector<16xf32>,
        %add3A_394 = arith.addf %get3A_390, %get3A_393 : vector<16xf32>
        %mul3A_395 = arith.constant 2.000000e-01 : f32
        %mul3A_396 = vector.broadcast %mul3A_395 : f32 to vector<16xf32>
        %mul3A_397 = arith.mulf %add3A_394, %mul3A_396 : vector<16xf32>
        %max3A_398 = arith.maximumf %add3A_394, %mul3A_397 : vector<16xf32>
        %exp3A_399 = math.exp %max3A_398 : vector<16xf32>
        %swap3A_400 = arith.index_cast %rem3A_257 : i32 to index
        %swap3A_401 = arith.constant 48 : index
        %swap3A_402 = tpu.vector_load %arg14[%swap3A_400, %swap3A_401] {strides = array<i32>} : memref<2x80xf32, #tpu.memory_space<vmem>>, vector<16xf32>,
        tpu.vector_store %arg14[%swap3A_400, %swap3A_401], %exp3A_399 {strides = array<i32>} : memref<2x80xf32, #tpu.memory_space<vmem>>, vector<16xf32>,
        %get3A_403 = arith.index_cast %rem3A_257 : i32 to index
        %get3A_404 = arith.constant 64 : index
        %get3A_405 = tpu.vector_load %arg12[%get3A_403, %get3A_404] {strides = array<i32>} : memref<2x80xf32, #tpu.memory_space<vmem>>, vector<16xf32>,
        %get3A_406 = arith.index_cast %rem3A_257 : i32 to index
        %get3A_407 = arith.constant 64 : index
        %get3A_408 = tpu.vector_load %arg13[%get3A_406, %get3A_407] {strides = array<i32>} : memref<2x80xf32, #tpu.memory_space<vmem>>, vector<16xf32>,
        %add3A_409 = arith.addf %get3A_405, %get3A_408 : vector<16xf32>
        %mul3A_410 = arith.constant 2.000000e-01 : f32
        %mul3A_411 = vector.broadcast %mul3A_410 : f32 to vector<16xf32>
        %mul3A_412 = arith.mulf %add3A_409, %mul3A_411 : vector<16xf32>
        %max3A_413 = arith.maximumf %add3A_409, %mul3A_412 : vector<16xf32>
        %exp3A_414 = math.exp %max3A_413 : vector<16xf32>
        %swap3A_415 = arith.index_cast %rem3A_257 : i32 to index
        %swap3A_416 = arith.constant 64 : index
        %swap3A_417 = tpu.vector_load %arg14[%swap3A_415, %swap3A_416] {strides = array<i32>} : memref<2x80xf32, #tpu.memory_space<vmem>>, vector<16xf32>,
        tpu.vector_store %arg14[%swap3A_415, %swap3A_416], %exp3A_414 {strides = array<i32>} : memref<2x80xf32, #tpu.memory_space<vmem>>, vector<16xf32>,
      } else {
      }
      %dma_start3A_311 = arith.constant 0 : i32
      %dma_start3A_312 = arith.constant 0 : i32
      %dma_start3A_313 = tpu.memref_slice %arg15[%rem3A_251, %dma_start3A_311, %dma_start3A_312] : memref<4x80x64xf32, #tpu.memory_space<vmem>> -> memref<1x80x64xf32, #tpu.memory_space<vmem>>
      %dma_start3A_314 = tpu.memref_squeeze %dma_start3A_313 : memref<1x80x64xf32, #tpu.memory_space<vmem>> -> memref<80x64xf32, #tpu.memory_space<vmem>>
      %dma_start3A_315 = arith.constant 0 : i32
      %dma_start3A_316 = tpu.memref_slice %arg11[%scan3A_250, %dma_start3A_315] : memref<125x80xi32, #tpu.memory_space<vmem>> -> memref<1x80xi32, #tpu.memory_space<vmem>>
      %dma_start3A_317 = tpu.memref_squeeze %dma_start3A_316 : memref<1x80xi32, #tpu.memory_space<vmem>> -> memref<80xi32, #tpu.memory_space<vmem>>
      %dma_start3A_318 = arith.constant 0 : i32
      %dma_start3A_319 = arith.constant 0 : i32
      %dma_start3A_320 = tpu.memref_slice %arg16[%dma_start3A_318, %dma_start3A_319] : memref<10240x64xf32, #tpu.memory_space<vmem_shared>> -> memref<10240x64xf32, #tpu.memory_space<vmem_shared>>
      tpu.enqueue_indirect_dma source(%dma_start3A_314 : memref<80x64xf32, #tpu.memory_space<vmem>>) target(%dma_start3A_320 : memref<10240x64xf32, #tpu.memory_space<vmem_shared>>) offsets(%dma_start3A_317 : memref<80xi32, #tpu.memory_space<vmem>>) semaphore(%arg22 : memref<!tpu.dma_semaphore, #tpu.memory_space<semaphore_mem>>) {add = true}
    }
    %scan3A_222 = arith.constant 125 : i32
    %dma_wait3A_223 = arith.constant 0 : i32
    %dma_wait3A_224 = arith.constant 0 : i32
    %dma_wait3A_225 = arith.constant 0 : i32
    %dma_wait3A_226 = tpu.memref_slice %arg15[%dma_wait3A_223, %dma_wait3A_224, %dma_wait3A_225] : memref<4x80x64xf32, #tpu.memory_space<vmem>> -> memref<1x80x64xf32, #tpu.memory_space<vmem>>
    %dma_wait3A_227 = tpu.memref_squeeze %dma_wait3A_226 : memref<1x80x64xf32, #tpu.memory_space<vmem>> -> memref<80x64xf32, #tpu.memory_space<vmem>>
    %dma_wait3A_228 = arith.constant 0 : i32
    %dma_wait3A_229 = arith.constant 0 : i32
    %dma_wait3A_230 = tpu.memref_slice %arg16[%dma_wait3A_228, %dma_wait3A_229] : memref<10240x64xf32, #tpu.memory_space<vmem_shared>> -> memref<80x64xf32, #tpu.memory_space<vmem_shared>>
    %dma_wait3A_231 = arith.constant 0 : i32
    %dma_wait3A_232 = arith.constant 0 : i32
    %dma_wait3A_233 = tpu.memref_slice %arg16[%dma_wait3A_231, %dma_wait3A_232] : memref<10240x64xf32, #tpu.memory_space<vmem_shared>> -> memref<80x64xf32, #tpu.memory_space<vmem_shared>>
    %dma_wait3A_234 = arith.constant 0 : i32
    %dma_wait3A_235 = arith.constant 0 : i32
    %dma_wait3A_236 = tpu.memref_slice %arg15[%dma_wait3A_223, %dma_wait3A_234, %dma_wait3A_235] : memref<4x80x64xf32, #tpu.memory_space<vmem>> -> memref<1x80x64xf32, #tpu.memory_space<vmem>>
    %dma_wait3A_237 = tpu.memref_squeeze %dma_wait3A_236 : memref<1x80x64xf32, #tpu.memory_space<vmem>> -> memref<80x64xf32, #tpu.memory_space<vmem>>
    tpu.wait_dma2 semaphore(%arg22 : memref<!tpu.dma_semaphore, #tpu.memory_space<semaphore_mem>>) src(%dma_wait3A_237 : memref<80x64xf32, #tpu.memory_space<vmem>>) dst(%dma_wait3A_233 : memref<80x64xf32, #tpu.memory_space<vmem_shared>>)
    %dma_wait3A_238 = arith.constant 0 : i32
    %dma_wait3A_239 = arith.constant 0 : i32
    %dma_wait3A_240 = tpu.memref_slice %arg14[%dma_wait3A_238, %dma_wait3A_239] : memref<2x80xf32, #tpu.memory_space<vmem>> -> memref<1x80xf32, #tpu.memory_space<vmem>>
    %dma_wait3A_241 = tpu.memref_squeeze %dma_wait3A_240 : memref<1x80xf32, #tpu.memory_space<vmem>> -> memref<80xf32, #tpu.memory_space<vmem>>
    %dma_wait3A_242 = arith.constant 0 : i32
    %dma_wait3A_243 = tpu.memref_slice %arg17[%dma_wait3A_242] : memref<10240xf32, #tpu.memory_space<vmem_shared>> -> memref<80xf32, #tpu.memory_space<vmem_shared>>
    %dma_wait3A_244 = arith.constant 0 : i32
    %dma_wait3A_245 = tpu.memref_slice %arg17[%dma_wait3A_244] : memref<10240xf32, #tpu.memory_space<vmem_shared>> -> memref<80xf32, #tpu.memory_space<vmem_shared>>
    %dma_wait3A_246 = arith.constant 0 : i32
    %dma_wait3A_247 = tpu.memref_slice %arg14[%dma_wait3A_238, %dma_wait3A_246] : memref<2x80xf32, #tpu.memory_space<vmem>> -> memref<1x80xf32, #tpu.memory_space<vmem>>
    %dma_wait3A_248 = tpu.memref_squeeze %dma_wait3A_247 : memref<1x80xf32, #tpu.memory_space<vmem>> -> memref<80xf32, #tpu.memory_space<vmem>>
    tpu.wait_dma2 semaphore(%arg23 : memref<!tpu.dma_semaphore, #tpu.memory_space<semaphore_mem>>) src(%dma_wait3A_248 : memref<80xf32, #tpu.memory_space<vmem>>) dst(%dma_wait3A_245 : memref<80xf32, #tpu.memory_space<vmem_shared>>)
    %barrier3A_249 = arith.constant 0 : index
    tpu.barrier barrier_id(%barrier3A_249)
    "tpu.region"() ({
      %run_scoped3A = tpu.sem_alloc : memref<!tpu.dma_semaphore, #tpu.memory_space<semaphore_mem>>
      %dma_start3A_250 = arith.constant 0 : i32
      %dma_start3A_251 = tpu.memref_slice %arg8[%arg0, %mul3A_2, %dma_start3A_250] : memref<2x10240x64xf32, #tpu.memory_space<hbm>> -> memref<1x640x64xf32, #tpu.memory_space<hbm>>
      %dma_start3A_252 = tpu.memref_squeeze %dma_start3A_251 : memref<1x640x64xf32, #tpu.memory_space<hbm>> -> memref<640x64xf32, #tpu.memory_space<hbm>>
      %dma_start3A_253 = arith.constant 0 : i32
      %dma_start3A_254 = tpu.memref_slice %arg16[%mul3A_2, %dma_start3A_253] : memref<10240x64xf32, #tpu.memory_space<vmem_shared>> -> memref<640x64xf32, #tpu.memory_space<vmem_shared>>
      tpu.enqueue_dma source(%dma_start3A_254 : memref<640x64xf32, #tpu.memory_space<vmem_shared>>) target(%dma_start3A_252 : memref<640x64xf32, #tpu.memory_space<hbm>>) target_semaphore(%run_scoped3A : memref<!tpu.dma_semaphore, #tpu.memory_space<semaphore_mem>>)
      %dma_wait3A_255 = arith.constant 0 : i32
      %dma_wait3A_256 = tpu.memref_slice %arg8[%arg0, %mul3A_2, %dma_wait3A_255] : memref<2x10240x64xf32, #tpu.memory_space<hbm>> -> memref<1x640x64xf32, #tpu.memory_space<hbm>>
      %dma_wait3A_257 = tpu.memref_squeeze %dma_wait3A_256 : memref<1x640x64xf32, #tpu.memory_space<hbm>> -> memref<640x64xf32, #tpu.memory_space<hbm>>
      %dma_wait3A_258 = arith.constant 0 : i32
      %dma_wait3A_259 = tpu.memref_slice %arg16[%mul3A_2, %dma_wait3A_258] : memref<10240x64xf32, #tpu.memory_space<vmem_shared>> -> memref<640x64xf32, #tpu.memory_space<vmem_shared>>
      tpu.wait_dma2 semaphore(%run_scoped3A : memref<!tpu.dma_semaphore, #tpu.memory_space<semaphore_mem>>) src(%dma_wait3A_259 : memref<640x64xf32, #tpu.memory_space<vmem_shared>>) dst(%dma_wait3A_257 : memref<640x64xf32, #tpu.memory_space<hbm>>)
      tpu.yield
    }) : () -> ()
    "tpu.region"() ({
      %run_scoped3A = tpu.sem_alloc : memref<!tpu.dma_semaphore, #tpu.memory_space<semaphore_mem>>
      %dma_start3A_250 = tpu.memref_slice %arg9[%arg0, %mul3A_2] : memref<2x10240xf32, #tpu.memory_space<hbm>> -> memref<1x640xf32, #tpu.memory_space<hbm>>
      %dma_start3A_251 = tpu.memref_squeeze %dma_start3A_250 : memref<1x640xf32, #tpu.memory_space<hbm>> -> memref<640xf32, #tpu.memory_space<hbm>>
      %dma_start3A_252 = tpu.memref_slice %arg17[%mul3A_2] : memref<10240xf32, #tpu.memory_space<vmem_shared>> -> memref<640xf32, #tpu.memory_space<vmem_shared>>
      tpu.enqueue_dma source(%dma_start3A_252 : memref<640xf32, #tpu.memory_space<vmem_shared>>) target(%dma_start3A_251 : memref<640xf32, #tpu.memory_space<hbm>>) target_semaphore(%run_scoped3A : memref<!tpu.dma_semaphore, #tpu.memory_space<semaphore_mem>>)
      %dma_wait3A_253 = tpu.memref_slice %arg9[%arg0, %mul3A_2] : memref<2x10240xf32, #tpu.memory_space<hbm>> -> memref<1x640xf32, #tpu.memory_space<hbm>>
      %dma_wait3A_254 = tpu.memref_squeeze %dma_wait3A_253 : memref<1x640xf32, #tpu.memory_space<hbm>> -> memref<640xf32, #tpu.memory_space<hbm>>
      %dma_wait3A_255 = tpu.memref_slice %arg17[%mul3A_2] : memref<10240xf32, #tpu.memory_space<vmem_shared>> -> memref<640xf32, #tpu.memory_space<vmem_shared>>
      tpu.wait_dma2 semaphore(%run_scoped3A : memref<!tpu.dma_semaphore, #tpu.memory_space<semaphore_mem>>) src(%dma_wait3A_255 : memref<640xf32, #tpu.memory_space<vmem_shared>>) dst(%dma_wait3A_254 : memref<640xf32, #tpu.memory_space<hbm>>)
      tpu.yield
    }) : () -> ()
    return
  }
}

module attributes {stable_mosaic.version = 14 : i64} {
  func.func @body(%arg0: memref<10000x128xf32, #tpu.memory_space<vmem>>, %arg1: memref<64x128xf32, #tpu.memory_space<vmem>>, %arg2: memref<8x64xf32, #tpu.memory_space<vmem>>, %arg3: memref<10000x64xf32, #tpu.memory_space<vmem>>, %arg4: memref<8x10000xf32, #tpu.memory_space<vmem>>) attributes {dimension_semantics = [], scalar_prefetch = 0 : i64, scratch_operands = 0 : i64, tpu.core_type = #tpu.core_type<tc>} {
    %get3A = arith.constant 0 : index
    %get3A_0 = arith.constant 0 : index
    %get3A_1 = vector.load %arg0[%get3A, %get3A_0] : memref<10000x128xf32, #tpu.memory_space<vmem>>, vector<10000x128xf32>
    %get3A_2 = arith.constant 0 : index
    %get3A_3 = arith.constant 0 : index
    %get3A_4 = vector.load %arg1[%get3A_2, %get3A_3] : memref<64x128xf32, #tpu.memory_space<vmem>>, vector<64x128xf32>
    %dot_general3A = arith.constant dense<0.000000e+00> : vector<10000x64xf32>
    %dot_general3A_5 = tpu.matmul %get3A_1, %get3A_4, %dot_general3A {dimension_numbers = #tpu.dot_dimension_numbers<[1], [1], [0], [0], [0, 0, 1, 0], [], []>, transpose_lhs_hint = false} : vector<10000x128xf32>, vector<64x128xf32>, vector<10000x64xf32> -> vector<10000x64xf32>
    %swap3A = arith.constant 0 : index
    %swap3A_6 = arith.constant 0 : index
    %swap3A_7 = vector.load %arg3[%swap3A, %swap3A_6] : memref<10000x64xf32, #tpu.memory_space<vmem>>, vector<10000x64xf32>
    tpu.vector_store %arg3[%swap3A, %swap3A_6], %dot_general3A_5 {strides = array<i32>} : memref<10000x64xf32, #tpu.memory_space<vmem>>, vector<10000x64xf32>,
    %get3A_8 = arith.constant 0 : index
    %get3A_9 = arith.constant 0 : index
    %get3A_10 = vector.load %arg2[%get3A_8, %get3A_9] : memref<8x64xf32, #tpu.memory_space<vmem>>, vector<8x64xf32>
    %dot_general3A_11 = arith.constant dense<0.000000e+00> : vector<8x10000xf32>
    %dot_general3A_12 = tpu.matmul %get3A_10, %dot_general3A_5, %dot_general3A_11 {dimension_numbers = #tpu.dot_dimension_numbers<[1], [1], [0], [0], [0, 0, 1, 0], [], []>, transpose_lhs_hint = false} : vector<8x64xf32>, vector<10000x64xf32>, vector<8x10000xf32> -> vector<8x10000xf32>
    %swap3A_13 = arith.constant 0 : index
    %swap3A_14 = arith.constant 0 : index
    %swap3A_15 = vector.load %arg4[%swap3A_13, %swap3A_14] : memref<8x10000xf32, #tpu.memory_space<vmem>>, vector<8x10000xf32>
    tpu.vector_store %arg4[%swap3A_13, %swap3A_14], %dot_general3A_12 {strides = array<i32>} : memref<8x10000xf32, #tpu.memory_space<vmem>>, vector<8x10000xf32>,
    return
  }
}

module attributes {stable_mosaic.version = 14 : i64} {
  func.func @body(%arg0: memref<2x10240x64xf32, #tpu.memory_space<vmem>>, %arg1: memref<2x10240xf32, #tpu.memory_space<vmem>>, %arg2: memref<10000x64xf32, #tpu.memory_space<vmem>>, %arg3: memref<8x10000xf32, #tpu.memory_space<vmem>>, %arg4: memref<64xf32, #tpu.memory_space<vmem>>, %arg5: memref<64xf32, #tpu.memory_space<vmem>>, %arg6: memref<64xf32, #tpu.memory_space<vmem>>, %arg7: memref<10000x64xf32, #tpu.memory_space<vmem>>) attributes {dimension_semantics = [], scalar_prefetch = 0 : i64, scratch_operands = 0 : i64, tpu.core_type = #tpu.core_type<tc>} {
    %get3A = arith.constant 0 : index
    %get3A_0 = arith.constant 0 : index
    %get3A_1 = vector.load %arg3[%get3A, %get3A_0] : memref<8x10000xf32, #tpu.memory_space<vmem>>, vector<1x10000xf32>
    %get3A_2 = vector.shape_cast %get3A_1 : vector<1x10000xf32> to vector<10000xf32>
    %get3A_3 = arith.constant 1 : index
    %get3A_4 = arith.constant 0 : index
    %get3A_5 = vector.load %arg3[%get3A_3, %get3A_4] : memref<8x10000xf32, #tpu.memory_space<vmem>>, vector<1x10000xf32>
    %get3A_6 = vector.shape_cast %get3A_5 : vector<1x10000xf32> to vector<10000xf32>
    %add3A = arith.addf %get3A_2, %get3A_6 : vector<10000xf32>
    %mul3A = arith.constant 2.000000e-01 : f32
    %mul3A_7 = vector.broadcast %mul3A : f32 to vector<10000xf32>
    %mul3A_8 = arith.mulf %add3A, %mul3A_7 : vector<10000xf32>
    %max3A = arith.maximumf %add3A, %mul3A_8 : vector<10000xf32>
    %exp3A = math.exp %max3A : vector<10000xf32>
    %get3A_9 = arith.constant 0 : index
    %get3A_10 = arith.constant 0 : index
    %get3A_11 = arith.constant 0 : index
    %get3A_12 = vector.load %arg0[%get3A_9, %get3A_10, %get3A_11] : memref<2x10240x64xf32, #tpu.memory_space<vmem>>, vector<1x10000x64xf32>
    %get3A_13 = vector.shape_cast %get3A_12 : vector<1x10000x64xf32> to vector<10000x64xf32>
    %get3A_14 = arith.constant 1 : index
    %get3A_15 = arith.constant 0 : index
    %get3A_16 = arith.constant 0 : index
    %get3A_17 = vector.load %arg0[%get3A_14, %get3A_15, %get3A_16] : memref<2x10240x64xf32, #tpu.memory_space<vmem>>, vector<1x10000x64xf32>
    %get3A_18 = vector.shape_cast %get3A_17 : vector<1x10000x64xf32> to vector<10000x64xf32>
    %add3A_19 = arith.addf %get3A_13, %get3A_18 : vector<10000x64xf32>
    %broadcast_in_dim3A = vector.shape_cast %exp3A : vector<10000xf32> to vector<10000x1xf32>
    %get3A_20 = arith.constant 0 : index
    %get3A_21 = arith.constant 0 : index
    %get3A_22 = vector.load %arg2[%get3A_20, %get3A_21] : memref<10000x64xf32, #tpu.memory_space<vmem>>, vector<10000x64xf32>
    %mul3A_23 = vector.broadcast %broadcast_in_dim3A : vector<10000x1xf32> to vector<10000x64xf32>
    %mul3A_24 = arith.mulf %mul3A_23, %get3A_22 : vector<10000x64xf32>
    %add3A_25 = arith.addf %add3A_19, %mul3A_24 : vector<10000x64xf32>
    %get3A_26 = arith.constant 0 : index
    %get3A_27 = arith.constant 0 : index
    %get3A_28 = vector.load %arg1[%get3A_26, %get3A_27] : memref<2x10240xf32, #tpu.memory_space<vmem>>, vector<1x10000xf32>
    %get3A_29 = vector.shape_cast %get3A_28 : vector<1x10000xf32> to vector<10000xf32>
    %get3A_30 = arith.constant 1 : index
    %get3A_31 = arith.constant 0 : index
    %get3A_32 = vector.load %arg1[%get3A_30, %get3A_31] : memref<2x10240xf32, #tpu.memory_space<vmem>>, vector<1x10000xf32>
    %get3A_33 = vector.shape_cast %get3A_32 : vector<1x10000xf32> to vector<10000xf32>
    %add3A_34 = arith.addf %get3A_29, %get3A_33 : vector<10000xf32>
    %add3A_35 = arith.addf %add3A_34, %exp3A : vector<10000xf32>
    %add3A_36 = arith.constant 1.000000e-16 : f32
    %add3A_37 = vector.broadcast %add3A_36 : f32 to vector<10000xf32>
    %add3A_38 = arith.addf %add3A_35, %add3A_37 : vector<10000xf32>
    %broadcast_in_dim3A_39 = vector.shape_cast %add3A_38 : vector<10000xf32> to vector<10000x1xf32>
    %div3A = vector.broadcast %broadcast_in_dim3A_39 : vector<10000x1xf32> to vector<10000x64xf32>
    %div3A_40 = arith.divf %add3A_25, %div3A : vector<10000x64xf32>
    %get3A_41 = arith.constant 0 : index
    %get3A_42 = vector.load %arg4[%get3A_41] : memref<64xf32, #tpu.memory_space<vmem>>, vector<64xf32>
    %broadcast_in_dim3A_43 = vector.shape_cast %get3A_42 : vector<64xf32> to vector<1x64xf32>
    %add3A_44 = vector.broadcast %broadcast_in_dim3A_43 : vector<1x64xf32> to vector<10000x64xf32>
    %add3A_45 = arith.addf %div3A_40, %add3A_44 : vector<10000x64xf32>
    %max3A_46 = arith.constant 0.000000e+00 : f32
    %max3A_47 = vector.broadcast %max3A_46 : f32 to vector<10000x64xf32>
    %max3A_48 = arith.maximumf %add3A_45, %max3A_47 : vector<10000x64xf32>
    %reduce_sum3A = arith.constant dense<0.000000e+00> : vector<64xf32>
    %reduce_sum3A_49 = vector.multi_reduction <add>, %max3A_48, %reduce_sum3A [0] : vector<10000x64xf32> to vector<64xf32>
    %broadcast_in_dim3A_50 = vector.shape_cast %reduce_sum3A_49 : vector<64xf32> to vector<1x64xf32>
    %div3A_51 = arith.constant 1.000000e+04 : f32
    %div3A_52 = vector.broadcast %div3A_51 : f32 to vector<1x64xf32>
    %div3A_53 = arith.divf %broadcast_in_dim3A_50, %div3A_52 : vector<1x64xf32>
    %sub3A = vector.broadcast %div3A_53 : vector<1x64xf32> to vector<10000x64xf32>
    %sub3A_54 = arith.subf %max3A_48, %sub3A : vector<10000x64xf32>
    %integer_pow3A = arith.mulf %sub3A_54, %sub3A_54 : vector<10000x64xf32>
    %reduce_sum3A_55 = arith.constant dense<0.000000e+00> : vector<64xf32>
    %reduce_sum3A_56 = vector.multi_reduction <add>, %integer_pow3A, %reduce_sum3A_55 [0] : vector<10000x64xf32> to vector<64xf32>
    %broadcast_in_dim3A_57 = vector.shape_cast %reduce_sum3A_56 : vector<64xf32> to vector<1x64xf32>
    %div3A_58 = arith.constant 1.000000e+04 : f32
    %div3A_59 = vector.broadcast %div3A_58 : f32 to vector<1x64xf32>
    %div3A_60 = arith.divf %broadcast_in_dim3A_57, %div3A_59 : vector<1x64xf32>
    %sub3A_61 = vector.broadcast %div3A_53 : vector<1x64xf32> to vector<10000x64xf32>
    %sub3A_62 = arith.subf %max3A_48, %sub3A_61 : vector<10000x64xf32>
    %add3A_63 = arith.constant 9.99999974E-6 : f32
    %add3A_64 = vector.broadcast %add3A_63 : f32 to vector<1x64xf32>
    %add3A_65 = arith.addf %div3A_60, %add3A_64 : vector<1x64xf32>
    %rsqrt3A = math.rsqrt %add3A_65 : vector<1x64xf32>
    %mul3A_66 = vector.broadcast %rsqrt3A : vector<1x64xf32> to vector<10000x64xf32>
    %mul3A_67 = arith.mulf %sub3A_62, %mul3A_66 : vector<10000x64xf32>
    %get3A_68 = arith.constant 0 : index
    %get3A_69 = vector.load %arg5[%get3A_68] : memref<64xf32, #tpu.memory_space<vmem>>, vector<64xf32>
    %broadcast_in_dim3A_70 = vector.shape_cast %get3A_69 : vector<64xf32> to vector<1x64xf32>
    %mul3A_71 = vector.broadcast %broadcast_in_dim3A_70 : vector<1x64xf32> to vector<10000x64xf32>
    %mul3A_72 = arith.mulf %mul3A_67, %mul3A_71 : vector<10000x64xf32>
    %get3A_73 = arith.constant 0 : index
    %get3A_74 = vector.load %arg6[%get3A_73] : memref<64xf32, #tpu.memory_space<vmem>>, vector<64xf32>
    %broadcast_in_dim3A_75 = vector.shape_cast %get3A_74 : vector<64xf32> to vector<1x64xf32>
    %add3A_76 = vector.broadcast %broadcast_in_dim3A_75 : vector<1x64xf32> to vector<10000x64xf32>
    %add3A_77 = arith.addf %mul3A_72, %add3A_76 : vector<10000x64xf32>
    %swap3A = arith.constant 0 : index
    %swap3A_78 = arith.constant 0 : index
    %swap3A_79 = vector.load %arg7[%swap3A, %swap3A_78] : memref<10000x64xf32, #tpu.memory_space<vmem>>, vector<10000x64xf32>
    tpu.vector_store %arg7[%swap3A, %swap3A_78], %add3A_77 {strides = array<i32>} : memref<10000x64xf32, #tpu.memory_space<vmem>>, vector<10000x64xf32>,
    return
  }
}

</mosaic_0001>

<sc_bundles>
// kernel: kernel.5.cloned.1.call-start
scs
__scs_entry_jumppad:
0x0: {  	(pc) =	sbr.rel $0x88, $3  }
0x1: {  	(tag) =	ssettag $0x0;
	lr =	simm.s32 $0x1  }
0x2: {  	[smem:$0x3F99] =	sst lr;
	_ =	strace $0xD0000000  }
0x3: {  	_ = 	snop  }
0x4: {  	_ = 	snop  }
0x5: {  	_ = 	snop  }
0x6: {  	_ = 	snop  }
0x7: {  	_ = 	snop  }
__scs_overlays_trampoline_lowered:
0x8: {  	[smem:$0x3FA8] =	sst s0  }
0x9: {  	[smem:$0x3FA9] =	sst s1  }
0xa: {  	[smem:$0x3FAA] =	sst s2  }
0xb: {  	[smem:$0x3FAB] =	sst s3  }
0xc: {  	[smem:$0x3FAC] =	sst s4  }
0xd: {  	[smem:$0x3FAD] =	sst s5  }
0xe: {  	[smem:$0x3FAE] =	sst s6  }
0xf: {  	[smem:$0x3FAF] =	sst s7  }
0x10: {  	[smem:$0x3FB0] =	sst s8  }
0x11: {  	[smem:$0x3FB1] =	sst s9;
	s0 =	simm.s32 @!p0 $0x0  }
0x12: {  	s1 =	sld [smem:$0x3F97];
	s0 =	simm.s32 @p0 $0x1  }
0x13: {  	[smem:$0x3FB2] =	sst s0;
	s0 =	simm.s32 @!p1 $0x0  }
0x14: {  	s2 =	sld [smem:$0x3F96];
	s0 =	simm.s32 @p1 $0x1  }
0x15: {  	[smem:$0x3FB3] =	sst s0;
	s0 =	simm.s32 @!p2 $0x0  }
0x16: {  	s3 =	sld [smem:$0x3FDB];
	s0 =	simm.s32 @p2 $0x1  }
0x17: {  	s4 =	simm.s32 $0x1BF5;
	[smem:$0x3FB5] =	sst s0  }
0x18: {  	s0 =	sld [smem:$0x3F98];
	_ =	swait.ge [sflag:s4], $0x0  }
0x19: {  	s7 =	sld [smem:$0x3F99]  }
0x1a: {  	s8 =	sadd.s32 $0xFFFFE003, lr  }
0x1b: {  	s9 =	sadd.s32 $0xFFFFFEF7, lr;
	s5 =	simm.s32 $0xFFFFFFFF;
	p2 =	slt.u32 s8, $0xFFFFF086  }
0x1c: {  	p1 =	slt.u32 s9, $0xF7A;
	s5 =	simm.s32 @!p2 $0x0  }
0x1d: {  	s5 =	simm.s32 @p1 $0x1;
	p0 =	seq.s32 s7, s2  }
0x1e: {  	s7 =	smul.u32 @!p0 $0xF7A, s2;
	p2 =	seq.s32 @!p0 s5, $0x0  }
0x1f: {  	s9 =	smul.u32 $0xF7A, s1;
	s8 =	simm.s32 @!p0 $0x1BF5;
	p2 =	por !p2, p0  }
0x20: {  	[sflag:s8] =	ssyncset.s32 @!p0 $0xFFFFF086;
	s6 =	sadd.s32 @!p0 s3, s7;
	s7 =	simm.s32 @!p0 $0x108  }
0x21: {  	s3 =	sadd.s32 s3, s9;
	s6 =	sadd.s32 @!p0 $0x88, s6;
	s7 =	simm.s32 @p2 $0x1082  }
0x22: {  	[simem:s7], [sflag:s8] =	dma.local @!p0 [hbm:s6], $0xF7A  }
0x23: {  	s9 =	sor.u32 $0xD0000000, s2;
	s6 =	simm.s32 $0x108;
	_ =	swait.ge @!p0 [sflag:s8], $0x0  }
0x24: {  	s3 =	sadd.s32 $0x88, s3;
	s6 =	simm.s32 @!p1 $0x1082;
	[sflag:s4] =	ssyncset.s32 $0xFFFFF086  }
0x25: {  	[simem:s6], [sflag:s4] =	dma.local [hbm:s3], $0xF7A  }
0x26: {  	[smem:$0x3F99] =	sst s1;
	(tag) =	ssettag s2;
	_ =	strace s9  }
0x27: {  	s1 =	sld [smem:$0x3FA9]  }
0x28: {  	s2 =	sld [smem:$0x3FAA]  }
0x29: {  	s4 =	sld [smem:$0x3FAC]  }
0x2a: {  	p0 =	seq.s32 s5, $0x0;
	s5 =	sld [smem:$0x3FAD]  }
0x2b: {  	s6 =	sld [smem:$0x3FAE]  }
0x2c: {  	s7 =	sld [smem:$0x3FAF]  }
0x2d: {  	s3 =	simm.s32 $0x108;
	s8 =	sld [smem:$0x3FB0]  }
0x2e: {  	s3 =	simm.s32 @!p0 $0x1082;
	s9 =	sld [smem:$0x3FB1]  }
0x2f: {  	lr =	sadd.s32 s0, s3;
	s0 =	sld [smem:$0x3FA8]  }
0x30: {  	s3 =	sld [smem:$0x3FAB]  }
0x31: {  	[smem:$0x3FB4] =	sst s10  }
0x32: {  	s10 =	sld [smem:$0x3FB2];
	_ =	sdelay $0x3  }
0x33: {  	p0 =	seq.s32 s10, $0x1;
	s10 =	sld [smem:$0x3FB4];
	_ =	sdelay $0x3  }
0x34: {  	[smem:$0x3FB4] =	sst s10  }
0x35: {  	s10 =	sld [smem:$0x3FB3];
	_ =	sdelay $0x3  }
0x36: {  	p1 =	seq.s32 s10, $0x1;
	s10 =	sld [smem:$0x3FB4];
	_ =	sdelay $0x3  }
0x37: {  	[smem:$0x3FB4] =	sst s10  }
0x38: {  	s10 =	sld [smem:$0x3FB5]  }
0x39: {  	_ = 	snop;
	(pc) =	sbr.ind lr, $3  }
0x3a: {  	_ = 	snop  }
0x3b: {  	_ = 	snop  }
0x3c: {  	p2 =	seq.s32 s10, $0x1;
	s10 =	sld [smem:$0x3FB4]  }
0x3d: {  	_ =	shalt  }
0x3e: {  	_ =	shalt  }
0x3f: {  	_ =	shalt  }
0x40: {  	_ =	shalt  }
0x41: {  	_ =	shalt  }
0x42: {  	_ =	shalt  }
0x43: {  	_ =	shalt  }
0x44: {  	_ =	shalt  }
0x45: {  	_ =	shalt  }
0x46: {  	_ =	shalt  }
0x47: {  	_ =	shalt  }
0x48: {  	_ =	shalt  }
0x49: {  	_ =	shalt  }
0x4a: {  	_ =	shalt  }
0x4b: {  	_ =	shalt  }
0x4c: {  	_ =	shalt  }
0x4d: {  	_ =	shalt  }
0x4e: {  	_ =	shalt  }
0x4f: {  	_ =	shalt  }
0x50: {  	_ =	shalt  }
0x51: {  	_ =	shalt  }
0x52: {  	_ =	shalt  }
0x53: {  	_ =	shalt  }
0x54: {  	_ =	shalt  }
0x55: {  	_ =	shalt  }
0x56: {  	_ =	shalt  }
0x57: {  	_ =	shalt  }
0x58: {  	_ =	shalt  }
0x59: {  	_ =	shalt  }
0x5a: {  	_ =	shalt  }
0x5b: {  	_ =	shalt  }
0x5c: {  	_ =	shalt  }
0x5d: {  	_ =	shalt  }
0x5e: {  	_ =	shalt  }
0x5f: {  	_ =	shalt  }
0x60: {  	_ =	shalt  }
0x61: {  	_ =	shalt  }
0x62: {  	_ =	shalt  }
0x63: {  	_ =	shalt  }
0x64: {  	_ =	shalt  }
0x65: {  	_ =	shalt  }
0x66: {  	_ =	shalt  }
0x67: {  	_ =	shalt  }
0x68: {  	_ =	shalt  }
0x69: {  	_ =	shalt  }
0x6a: {  	_ =	shalt  }
0x6b: {  	_ =	shalt  }
0x6c: {  	_ =	shalt  }
0x6d: {  	_ =	shalt  }
0x6e: {  	_ =	shalt  }
0x6f: {  	_ =	shalt  }
0x70: {  	_ =	shalt  }
0x71: {  	_ =	shalt  }
0x72: {  	_ =	shalt  }
0x73: {  	_ =	shalt  }
0x74: {  	_ =	shalt  }
0x75: {  	_ =	shalt  }
0x76: {  	_ =	shalt  }
0x77: {  	_ =	shalt  }
0x78: {  	_ =	shalt  }
0x79: {  	_ =	shalt  }
0x7a: {  	_ =	shalt  }
0x7b: {  	_ =	shalt  }
0x7c: {  	_ =	shalt  }
0x7d: {  	_ =	shalt  }
0x7e: {  	_ =	shalt  }
0x7f: {  	_ =	shalt  }
0x80: {  	_ =	shalt  }
0x81: {  	_ =	shalt  }
0x82: {  	_ =	shalt  }
0x83: {  	_ =	shalt  }
0x84: {  	_ =	shalt  }
0x85: {  	_ =	shalt  }
0x86: {  	_ =	shalt  }
0x87: {  	_ =	shalt  }
.Lfunc_end0:
.L_simem_size_0:
called_computation_lowered:
.L_overlay_start_0:
0x88: {  	s2 =	sld [smem:$0x3FD9]  }
0x89: {  	s3 =	sld [smem:$0x3FFE];
	_ =	sdelay $0x1  }
0x8a: {  	s1 =	srdreg.scid  }
0x8b: {  	s0 =	sand.u32 $0x1, s1  }
0x8c: {  	s17 =	sshll.u32 s0, $0xA;
	s2 =	sadd.s32 s3, s2  }
0x8d: {  	s2 =	sadd.s32 s2, s17  }
0x8e: {  	[smem:$0x3FC0] =	sst s2  }
0x8f: {  	_ = 	snop  }
0x90: {  	s2 =	sld [smem:$0x3FD0];
	(tm) =	ssettm $0x1  }
0x91: {  	s18 =	sld [smem:$0x3FFB];
	_ =	sdelay $0x3  }
0x92: {  	_ =	strace s18  }
0x93: {  	s3 =	sld [smem:$0x3FFC];
	_ =	sdelay $0x3  }
0x94: {  	_ =	strace s3  }
0x95: {  	s3 =	sld [smem:$0x3FFD];
	_ =	sdelay $0x3  }
0x96: {  	_ =	strace s3  }
0x97: {  	_ =	strace $0x8FFFFFFF  }
0x98: {  	s19 =	sld [smem:$0x3FDB];
	_ =	sdelay $0x1  }
0x99: {  	s4 =	simm.s32 $_scs_section_size  }
0x9a: {  	s5 =	simm.s32 $_size__tile_overlayer_lowered;
	s6 =	simm.s32 $_tile_overlayer_lowered  }
0x9b: {  	s22 =	simm.s32 $0x1BFF;
	s21 =	sshll.u32 s6, $0x1;
	s3 =	sadd.s32 s4, s19  }
0x9c: {  	s7 =	simm.s32 $0x0;
	s20 =	sshll.u32 s5, $0x1;
	s5 =	sadd.s32 s21, s3  }
0x9d: {  	[timem:s7], [sflag:s22] =	dma.local [hbm:s5], s20  }
0x9e: {  	_ =	swait.ge [sflag:s22], s20  }
0x9f: {  	s4 =	ssub.s32 $0x0, s20;
	[sflag:s22] =	ssyncset.done $0x0  }
0xa0: {  	[sflag:s22] =	ssyncadd.s32 s4;
	_ =	sdelay $0x1  }
0xa1: {  	s23 =	simm.s32 $0x1B8B  }
0xa2: {  	_ =	swait.ge [sflag:s23], $0x1  }
0xa3: {  	[sflag:s23] =	ssyncset.done $0x0  }
0xa4: {  	s25 =	simm.s32 $0x1B8E;
	s24 =	sld [smem:$0x3FFE];
	[sflag:s23] =	ssyncadd.s32 $0xFFFFFFFF  }
0xa5: {  	s26 =	simm.s32 $execute0_lowered;
	[smem:$0x3FD2] =	sst s25  }
0xa6: {  	s5 =	sshll.u32 s26, $0x1;
	_ =	strace $0x80000046;
	[dreg:$0x1] =	wrdreg $0xFFFFFFFF  }
0xa7: {  	s28 =	simm.s32 $_size_execute0_lowered;
	s3 =	sadd.s32 s3, s5;
	[dreg:$0x0] =	wrdreg $0x0  }
0xa8: {  	s5 =	sshll.u32 s28, $0x1;
	[dreg:$0x2] =	wrdreg s3  }
0xa9: {  	[dreg:$0x3] =	wrdreg s5  }
0xaa: {  	[dreg:$0x4] =	wrdreg $0xC0  }
0xab: {  	_ =	task [dreg:s7], $0x5FFFF  }
0xac: {  	[dreg:$0x1] =	wrdreg $0xFFFFFFFF  }
0xad: {  	[dreg:$0x0] =	wrdreg $0x60  }
0xae: {  	[dreg:$0x2] =	wrdreg s24  }
0xaf: {  	[dreg:$0x3] =	wrdreg s2  }
0xb0: {  	[dreg:$0x4] =	wrdreg $0xA0000  }
0xb1: {  	[dreg:$0x5] =	wrdreg $0x140000  }
0xb2: {  	[dreg:$0x6] =	wrdreg $0x142800  }
0xb3: {  	[dreg:$0x7] =	wrdreg $0x1DEC00  }
0xb4: {  	[dreg:$0x8] =	wrdreg $0x1E1380  }
0xb5: {  	[dreg:$0x9] =	wrdreg $0x9  }
0xb6: {  	_ =	task.clear_ibuf [dreg:s7], $0xAFFFF;
	_ =	strace $0x90000046  }
0xb7: {  	s29 =	simm.s32 $0x9;
	_ =	strace $0x80000048  }
0xb8: {  	_ =	swait.ge [sflag:s29], $0x1  }
0xb9: {  	[sflag:s29] =	ssyncadd.s32 $0xFFFFFFFF  }
0xba: {  	_ =	strace $0x90000048  }
0xbb: {  	_ =	sfence  }
0xbc: {  	s30 =	sld [smem:$0x0];
	_ =	sdelay $0x2  }
0xbd: {  	s31 =	sshll.u32 s1, $0xD;
	s1 =	sshrl.u32 s1, $0x2  }
0xbe: {  	s3 =	sand.u32 $0x4000, s31;
	s1 =	sadd.s32 s1, s30  }
0xbf: {  	s0 =	sor.u32 s3, s0;
	s1 =	sshll.u32 s1, $0x11  }
0xc0: {  	s0 =	sor.u32 s1, s0  }
0xc1: {  	s0 =	sadd.s32 $0x8F2B, s0  }
0xc2: {  	[sflag:s0] =	ssyncadd.remote.s32 $0x1  }
0xc3: {  	_ =	sfence.sel $0xFFFF  }
0xc4: {  	[dreg:$0x0] =	wrdreg $0xFFFFFFFF;
	(pc) =	sbr.abs _section_cstart, $3  }
0xc5: {  	[dreg:$0x1] =	wrdreg $0xFFFFFFFF  }
0xc6: {  	_ =	task.clear_ibuf [dreg:s7], $0x2FFFF;
	_ =	strace $0x9FFFFFFF  }
0xc7: {  	(tm) =	ssettm $0x7FFFFFFF  }
tec
execute0_lowered:
.L_overlay_start_1:
0x0: {  	(tag) =	ssettag $0x1  }
0x1: {  	s0 =	rddreg [dreg:$0x0]  }
0x2: {  	s3 =	rddreg [dreg:$0x1]  }
0x3: {  	s1 =	rddreg [dreg:$0x2]  }
0x4: {  	s4 =	srdreg.scid;
	s17 =	stileid.u32  }
0x5: {  	s2 =	rddreg [dreg:$0x3];
	s7 =	simm.s32 $0x0;
	s28 =	simm.s32 $0x4  }
0x6: {  	s29 =	simm.s32 $0x4F60;
	s30 =	simm.s32 $0x2;
	s31 =	simm.s32 $0x3  }
0x7: {  	s8 =	sand.u32 $0x1, s4;
	s4 =	rddreg [dreg:$0x4];
	s10 =	smul.u32 $0xA000, s17  }
0x8: {  	s5 =	sshll.u32 s17, $0x1;
	[smem:$0x7FF] =	sst s7;
	s13 =	smul.u32 $0x280, s17  }
0x9: {  	s14 =	sadd.s32 $0x14C00, s0;
	s18 =	sadd.s32 $0x17600, s0;
	s19 =	sadd.s32 $0x17400, s0  }
0xa: {  	s16 =	smul.u32 $0x9C40, s17;
	s6 =	sor.u32 s8, s5;
	s5 =	rddreg [dreg:$0x5]  }
0xb: {  	p0 =	seq.s32 s17, $0x1;
	s9 =	smul.u32 $0x4E2, s6;
	s6 =	rddreg [dreg:$0x6]  }
0xc: {  	s11 =	smul.u32 $0xA0000, s8;
	_ =	strace $0x80000047;
	[dreg:$0x8] =	wrdreg s14  }
0xd: {  	p2 =	sgt.u32 s17, $0x1;
	s12 =	smul.u32 $0x2800, s8;
	[dreg:$0x9] =	wrdreg s18  }
0xe: {  	s8 =	ssub.s32 $0x2, s8;
	p1 =	sne.s32 @!p0 s17, $0x0;
	[dreg:$0xa] =	wrdreg s19  }
0xf: {  	s21 =	sshrl.u32 s8, $0x1;
	s23 =	sshrl.u32 s16, $0x3;
	s24 =	sadd.s32 s16, s4  }
0x10: {  	p1 =	por p1, p0;
	s11 =	sadd.s32 s10, s11;
	s12 =	sadd.s32 s13, s12  }
0x11: {  	s8 =	ssub.s32 s8, s21;
	s10 =	sadd.s32 s10, s1;
	s13 =	sadd.s32 s13, s2  }
0x12: {  	s3 =	sadd.s32 s3, s23;
	s24 =	sshrl.u32 s24, $0x3;
	s9 =	sadd.s32 s9, s0  }
0x13: {  	s11 =	sshrl.u32 s11, $0x3;
	s12 =	sshrl.u32 s12, $0x3;
	[dreg:$0xb] =	wrdreg s13  }
0x14: {  	[dreg:$0xe] =	wrdreg s3;
	s21 =	sshrl.u32 s10, $0x3;
	s3 =	simm.s32 $0x0  }
0x15: {  	s20 =	sadd.s32 s11, s0;
	s15 =	sadd.s32 s12, s0;
	s22 =	sadd.s32 $0xAE00, s9  }
0x16: {  	s11 =	sshll.u32 s17, $0x6;
	s9 =	sadd.s32 $0x1000, s9;
	[dreg:$0xc] =	wrdreg s22  }
0x17: {  	s0 =	sadd.s32 $0x150E2, s0;
	s12 =	sor.u32 $0x1C05, s11;
	[dreg:$0xd] =	wrdreg s9  }
0x18: {  	[dreg:$0xf] =	wrdreg s0;
	s25 =	sadd.s32 $0x19400, s20;
	s26 =	sadd.s32 $0x18A00, s15  }
0x19: {  	s20 =	smax.u32 s8, $0x1;
	s22 =	simm.s32 $0x5;
	[dreg:$0x10] =	wrdreg s25  }
0x1a: {  	[dreg:$0x11] =	wrdreg s26;
	s25 =	simm.s32 $0x1;
	s26 =	simm.s32 $0x50  }
.LBB2_1:
0x1b: {  	s0 =	rddreg [dreg:$0x9]  }
0x1c: {  	[spmem:s21], [sflag:s12] =	dma.local [hbm:s0], $0x1400  }
0x1d: {  	_ =	swait.ge [sflag:s22], $0x1400  }
0x1e: {  	[sflag:s22] =	ssyncset.done $0x0;
	s8 =	rddreg [dreg:$0xb]  }
0x1f: {  	[sflag:s22] =	ssyncadd.s32 $0xFFFFEC00;
	s0 =	sshrl.u32 s8, $0x3;
	s8 =	rddreg [dreg:$0xa]  }
0x20: {  	[spmem:s0], [sflag:s12] =	dma.local [hbm:s8], $0x50  }
0x21: {  	_ =	swait.ge [sflag:s22], $0x50  }
0x22: {  	[sflag:s22] =	ssyncset.done $0x0;
	s9 =	rddreg [dreg:$0xc]  }
0x23: {  	s10 =	rddreg [dreg:$0xd];
	[sflag:s22] =	ssyncadd.s32 $0xFFFFFFB0  }
0x24: {  	[tilespmem:s7], [sflag:$0x1] =	stream.linear.gather [hbm4b:s9+s7], $0x2710, $0x38;
	[tilespmem:$0x1E3B0] =	vst v63  }
0x25: {  	s13 =	simm.s32 $0x2710;
	s14 =	sor.u32 $0x1C01, s11;
	s9 =	rddreg [dreg:$0xe]  }
0x26: {  	[tilespmem:s13], [sflag:$0x1] =	stream.linear.gather [hbm4b:s10+s7], $0x2710, $0x38;
	[tilespmem:$0x1E3B0] =	vst v63  }
0x27: {  	[spmem:s24], [sflag:s14] =	dma.local [hbm:s9], $0x1388  }
0x28: {  	s8 =	sshrl.u32 @p0 s6, $0x3;
	s9 =	simm.s32 @p0 $0x1C44;
	s10 =	rddreg [dreg:$0xf]  }
0x29: {  	[spmem:s8], [sflag:s9] =	dma.local @p0 [hbm:s10], $0x4E2  }
0x2a: {  	s8 =	sshrl.u32 @!p1 s5, $0x3;
	s9 =	simm.s32 @!p1 $0x1C04;
	s10 =	rddreg [dreg:$0x8]  }
0x2b: {  	[spmem:s8], [sflag:s9] =	dma.local @!p1 [hbm:s10], $0x4E2  }
0x2c: {  	_ =	swait.ge [sflag:s25], $0x2710  }
0x2d: {  	[sflag:s25] =	ssyncset.done $0x0  }
0x2e: {  	[sflag:s25] =	ssyncadd.s32 $0xFFFFD8F0  }
0x2f: {  	_ =	swait.ge [sflag:s25], $0x2710  }
0x30: {  	[sflag:s25] =	ssyncset.done $0x0  }
0x31: {  	[sflag:s25] =	ssyncadd.s32 $0xFFFFD8F0  }
0x32: {  	_ =	swait.ge [sflag:s25], $0x1388  }
0x33: {  	[sflag:s25] =	ssyncset.done $0x0  }
0x34: {  	s8 =	simm.s32 @!p2 $0x4;
	[sflag:s25] =	ssyncadd.s32 $0xFFFFEC78  }
0x35: {  	_ =	swait.ge @!p2 [sflag:s8], $0x4E2  }
0x36: {  	[sflag:s8] =	ssyncset.done @!p2 $0x0  }
0x37: {  	[sflag:s8] =	ssyncadd.s32 @!p2 $0xFFFFFB1E  }
0x38: {  	s15 =	simm.s32 $0x5000;
	[bflag:$0x0] =	sbarrier.arrive $0xFFFF  }
0x39: {  	[tilespmem:s15], [sflag:$0x1] =	stream.indirect.gather [spmem:s4], $0x40, s7, s26, $0xb8;
	[tilespmem:$0x1E3B0] =	vst v63  }
0x3a: {  	s16 =	simm.s32 $0x6400  }
0x3b: {  	[tilespmem:s16], [sflag:$0x1] =	stream.indirect.gather [spmem:s4], $0x40, s26, s26, $0xb8;
	[tilespmem:$0x1E3B0] =	vst v63  }
0x3c: {  	s17 =	simm.s32 $0xA0;
	s18 =	simm.s32 $0x7800  }
0x3d: {  	[tilespmem:s18], [sflag:$0x1] =	stream.indirect.gather [spmem:s4], $0x40, s17, s26, $0xb8;
	[tilespmem:$0x1E3B0] =	vst v63  }
0x3e: {  	s19 =	simm.s32 $0x4E20  }
0x3f: {  	[tilespmem:s19], [sflag:$0x4] =	stream.indirect.gather [spmem:s5], $0x1, s7, s26, $0xb8;
	[tilespmem:$0x1E3B0] =	vst v63  }
0x40: {  	s23 =	simm.s32 $0x4EC0  }
0x41: {  	[tilespmem:s23], [sflag:$0x4] =	stream.indirect.gather [spmem:s6], $0x1, s13, s26, $0xb8;
	[tilespmem:$0x1E3B0] =	vst v63  }
0x42: {  	_ =	swait.ge [sflag:s28], $0x50  }
0x43: {  	[sflag:s28] =	ssyncset.done $0x0  }
0x44: {  	[sflag:s28] =	ssyncadd.s32 $0xFFFFFFB0  }
0x45: {  	_ =	swait.ge [sflag:s28], $0x50  }
0x46: {  	[sflag:s28] =	ssyncset.done $0x0  }
0x47: {  	[sflag:s28] =	ssyncadd.s32 $0xFFFFFFB0  }
0x48: {  	v0 =	vld [tilespmem:$0x4E20]  }
0x49: {  	v1 =	vld [tilespmem:$0x4EC0]  }
0x4a: {  	v2 =	vld [tilespmem:$0x4E30]  }
0x4b: {  	v3 =	vld [tilespmem:$0x4ED0]  }
0x4c: {  	v4 =	vld [tilespmem:$0x4E40]  }
0x4d: {  	v5 =	vld [tilespmem:$0x4EE0]  }
0x4e: {  	v6 =	vld [tilespmem:$0x4E50]  }
0x4f: {  	v7 =	vld [tilespmem:$0x4EF0]  }
0x50: {  	v8 =	vld [tilespmem:$0x4E60]  }
0x51: {  	v9 =	vld [tilespmem:$0x4F00]  }
0x52: {  	v0 =	vadd.f32 v1, v0  }
0x53: {  	v48 =	vadd.f32 v3, v2  }
0x54: {  	v49 =	vadd.f32 v5, v4;
	v50 =	vmul.f32 $2.000000030e-01, v0  }
0x55: {  	v51 =	vadd.f32 v7, v6;
	v52 =	vmul.f32 $2.000000030e-01, v48  }
0x56: {  	v53 =	vadd.f32 v9, v8;
	v54 =	vmul.f32 $2.000000030e-01, v49;
	v0 =	vmax.f32 v0, v50  }
0x57: {  	v55 =	vmul.f32 $2.000000030e-01, v51;
	v1 =	vmax.f32 v48, v52;
	v0 =	vmul.f32 $1.442695020e+00, v0  }
0x58: {  	v56 =	vmul.f32 $2.000000030e-01, v53;
	v2 =	vmax.f32 v49, v54;
	v1 =	vmul.f32 $1.442695020e+00, v1  }
0x59: {  	v57 =	vmax.f32 v51, v55;
	v2 =	vmul.f32 $1.442695020e+00, v2;
	(erf) = vpow2.f32 v0  }
0x5a: {  	v58 =	vmax.f32 v53, v56;
	v0 =	vmul.f32 $1.442695020e+00, v57;
	(erf) = vpow2.f32 v1  }
0x5b: {  	v1 =	vmul.f32 $1.442695020e+00, v58;
	(erf) = vpow2.f32 v2  }
0x5c: {  	(erf) = vpow2.f32 v0  }
0x5d: {  	(erf) = vpow2.f32 v1;
	_ =	sdelay $0x4  }
0x5e: {  	v59 =	vpop (erf)  }
0x5f: {  	v60 =	vpop (erf);
	[tilespmem:$0x4F60] =	vst v59  }
0x60: {  	v61 =	vpop (erf);
	[tilespmem:$0x4F70] =	vst v60  }
0x61: {  	v62 =	vpop (erf);
	[tilespmem:$0x4F80] =	vst v61  }
0x62: {  	[tilespmem:$0x4F90] =	vst v62;
	v63 =	vpop (erf)  }
0x63: {  	s14 =	simm.s32 $0x0;
	s8 =	simm.s32 $0x0;
	[tilespmem:$0x4FA0] =	vst v63  }
.LBB2_2:
0x64: {  	_ =	swait.ge [sflag:s25], $0x1400  }
0x65: {  	p3 =	seq.s32 s14, $0x0;
	[sflag:s25] =	ssyncset.done $0x0  }
0x66: {  	s9 =	simm.s32 @!p3 $0x2;
	p4 =	sgt.u32 @!p3 s14, $0x79;
	[sflag:s25] =	ssyncadd.s32 $0xFFFFEC00  }
0x67: {  	p4 =	por p3, !p4;
	_ =	swait.ge @!p3 [sflag:s9], $0x1400  }
.Ltmp0:
0x68: {  	[sflag:s9] =	ssyncset.done @!p3 $0x0;
	(pc) =	sbr.rel @!p4 .LBB2_4-.Ltmp0, $4  }
0x69: {  	s13 =	simm.s32 @!p3 $0x3;
	[sflag:s9] =	ssyncadd.s32 @!p3 $0xFFFFEC00  }
0x6a: {  	_ =	swait.ge @!p3 [sflag:s13], $0x50  }
0x6b: {  	s9 =	sadd.s32 $0x1, s14;
	[sflag:s13] =	ssyncset.done @!p3 $0x0  }
0x6c: {  	s10 =	sand.u32 $0x1, s9;
	[sflag:s13] =	ssyncadd.s32 @!p3 $0xFFFFFFB0  }
0x6d: {  	s13 =	sadd.s32 $0x3, s14  }
0x6e: {  	s15 =	sand.u32 $0x3, s13  }
0x6f: {  	s15 =	smul.u32 $0x5000, s15  }
.Ltmp1:
0x70: {  	_ = 	snop;
	(pc) =	sbr.rel .LBB2_5-.Ltmp1, $4  }
0x71: {  	s13 =	smul.u32 $0x140, s13  }
0x72: {  	s15 =	sshrl.u32 s15, $0x2  }
0x73: {  	s13 =	sshra.s32 s13, $0x2;
	s15 =	sadd.s32 $0x5000, s15  }
0x74: {  	[tilespmem:s15], [sflag:$0x1] =	stream.indirect.gather [spmem:s4], $0x40, s13, s26, $0xb8;
	[tilespmem:$0x1E3B0] =	vst v63  }
.LBB2_4:
0x75: {  	p4 =	seq.s32 s14, $0x7C  }
.Ltmp2:
0x76: {  	_ = 	snop;
	(pc) =	sbr.rel @p4 .LBB2_6-.Ltmp2, $2  }
0x77: {  	_ =	sdelay $0x2  }
0x78: {  	p3 =	por $0x1, $0x1  }
.LBB2_5:
0x79: {  	s13 =	smul.u32 $0x50, s10  }
0x7a: {  	s15 =	smul.u32 $0x50, s9  }
0x7b: {  	s16 =	sadd.s32 $0x4E20, s13  }
0x7c: {  	[tilespmem:s16], [sflag:$0x4] =	stream.indirect.gather [spmem:s5], $0x1, s15, s26, $0xb8;
	[tilespmem:$0x1E3B0] =	vst v63  }
0x7d: {  	p3 =	por $0x0, $0x0;
	s13 =	sadd.s32 $0x4EC0, s13;
	s15 =	sadd.s32 $0x2710, s15  }
0x7e: {  	[tilespmem:s13], [sflag:$0x4] =	stream.indirect.gather [spmem:s6], $0x1, s15, s26, $0xb8;
	[tilespmem:$0x1E3B0] =	vst v63  }
.LBB2_6:
0x7f: {  	s13 =	sand.u32 $0x1, s14  }
0x80: {  	v0 =	vmov s13  }
0x81: {  	v0 =	vmul.u32 $0x50, v0  }
0x82: {  	s16 =	simm.s32 $0x0  }
0x83: {  	s15 =	sand.u32 $0x3, s8;
	s18 =	smul.u32 $0x140, s14;
	v1 =	vmov s16;
	v0 =	vbroadcast v0, $0x0  }
0x84: {  	s15 =	smul.u32 $0x5000, s15;
	v2 =	vand.u32 $0x78, v1  }
0x85: {  	s13 =	smul.u32 $0x140, s13;
	v1 =	vand.u32 $0x6, v1;
	v2 =	vadd.s32 v0, v2  }
0x86: {  	v1 =	vor.u32 v1, v2  }
0x87: {  	s16 =	sshra.s32 s18, $0x2;
	s15 =	sshrl.u32 s15, $0x2;
	s13 =	sshrl.u32 s13, $0x2  }
0x88: {  	s15 =	sadd.s32 $0x5040, s15;
	s17 =	sadd.s32 $0x4F60, s13;
	s13 =	sadd.s32 $0x2710, s16  }
0x89: {  	[spmem:s2] =	stream.indirect.scatter.add.f32 [tilespmem:s17], [sflag:$0x3], $0x1, s13, s26, $0xb8;
	[tilespmem:$0x1E3B0] =	vst v63  }
0x8a: {  	v2 =	vld [tilespmem:s15+$0xFFFFFFF0]  }
0x8b: {  	v1 =	vld.idx.msk [tilespmem:v1+s29+$0x0], $0xffff  }
0x8c: {  	v3 =	vld [tilespmem:s15+$0xFFFFFFC0]  }
0x8d: {  	s19 =	simm.s32 $0x1;
	v4 =	vld [tilespmem:s15+$0xFFFFFFD0]  }
0x8e: {  	v6 =	vmov s19;
	v5 =	vld [tilespmem:s15+$0xFFFFFFE0]  }
0x8f: {  	v7 =	vand.u32 $0x78, v6  }
0x90: {  	v6 =	vand.u32 $0x7, v6;
	v7 =	vadd.s32 v0, v7;
	v2 =	vmul.f32 v2, v1  }
0x91: {  	v6 =	vor.u32 v6, v7;
	v3 =	vmul.f32 v3, v1  }
0x92: {  	v4 =	vmul.f32 v4, v1;
	[tilespmem:s15+$0xFFFFFFF0] =	vst v2  }
0x93: {  	v1 =	vmul.f32 v5, v1;
	v5 =	vld [tilespmem:s15+$0x20];
	[tilespmem:s15+$0xFFFFFFC0] =	vst v3  }
0x94: {  	s23 =	sand.u32 $0x3, s14;
	[tilespmem:s15+$0xFFFFFFD0] =	vst v4;
	v3 =	vld [tilespmem:s15+$0x0]  }
0x95: {  	s14 =	smul.u32 $0x5000, s23;
	[tilespmem:s15+$0xFFFFFFE0] =	vst v1;
	v4 =	vld [tilespmem:s15+$0x10]  }
0x96: {  	v1 =	vld.idx.msk [tilespmem:v6+s29+$0x0], $0xffff  }
0x97: {  	s14 =	sshrl.u32 s14, $0x2;
	s16 =	simm.s32 $0x2;
	v2 =	vld [tilespmem:s15+$0x30]  }
0x98: {  	s23 =	simm.s32 $0x4;
	s14 =	sadd.s32 $0x5000, s14;
	s17 =	smov.u32 s15;
	v6 =	vmov s16  }
.LBB2_7:
0x99: {  	p4 =	slt.u32 s23, $0x4E  }
0x9a: {  	v7 =	vand.u32 $0x78, v6;
	v6 =	vand.u32 $0x6, v6;
	s15 =	sadd.s32 $0x80, s15;
	s18 =	smov.u32 s23;
	s23 =	sadd.s32 $0x2, s23  }
0x9b: {  	v3 =	vmul.f32 v3, v1;
	v7 =	vadd.s32 v0, v7;
	v4 =	vmul.f32 v4, v1  }
0x9c: {  	v6 =	vor.u32 v6, v7;
	v5 =	vmul.f32 v5, v1;
	v1 =	vmul.f32 v2, v1  }
0x9d: {  	[tilespmem:s17+$0x0] =	vst v3  }
0x9e: {  	[tilespmem:s17+$0x30] =	vst v1  }
0x9f: {  	v1 =	vld [tilespmem:s15+$0xFFFFFFF0];
	[tilespmem:s17+$0x10] =	vst v4  }
0xa0: {  	v2 =	vld [tilespmem:s15+$0xFFFFFFD0];
	[tilespmem:s17+$0x20] =	vst v5;
	s17 =	smov.u32 s15  }
0xa1: {  	v3 =	vld.idx.msk [tilespmem:v6+s29+$0x0], $0xffff  }
0xa2: {  	v4 =	vld [tilespmem:s15+$0xFFFFFFC0]  }
0xa3: {  	v5 =	vld [tilespmem:s15+$0xFFFFFFE0]  }
0xa4: {  	s19 =	sadd.s32 $0x1, s16;
	s16 =	smov.u32 s18  }
0xa5: {  	v6 =	vmov s19  }
0xa6: {  	v7 =	vand.u32 $0x78, v6;
	v6 =	vand.u32 $0x7, v6  }
0xa7: {  	v7 =	vadd.s32 v0, v7;
	v1 =	vmul.f32 v1, v3;
	v4 =	vmul.f32 v4, v3  }
0xa8: {  	v6 =	vor.u32 v6, v7;
	v2 =	vmul.f32 v2, v3;
	v5 =	vmul.f32 v5, v3  }
0xa9: {  	[tilespmem:s15+$0xFFFFFFF0] =	vst v1  }
0xaa: {  	[tilespmem:s15+$0xFFFFFFC0] =	vst v4  }
0xab: {  	[tilespmem:s15+$0xFFFFFFD0] =	vst v2;
	v3 =	vld [tilespmem:s15+$0x0]  }
0xac: {  	[tilespmem:s15+$0xFFFFFFE0] =	vst v5;
	v2 =	vld [tilespmem:s15+$0x30]  }
.Ltmp3:
0xad: {  	v1 =	vld.idx.msk [tilespmem:v6+s29+$0x0], $0xffff;
	(pc) =	sbr.rel @p4 .LBB2_7-.Ltmp3, $3  }
0xae: {  	v4 =	vld [tilespmem:s15+$0x10]  }
0xaf: {  	v5 =	vld [tilespmem:s15+$0x20];
	_ =	sdelay $0x1  }
0xb0: {  	v6 =	vmov s16  }
0xb1: {  	v7 =	vand.u32 $0x78, v6  }
0xb2: {  	v51 =	vand.u32 $0x6, v6;
	v3 =	vmul.f32 v3, v1;
	v7 =	vadd.s32 v0, v7  }
0xb3: {  	v2 =	vmul.f32 v2, v1;
	v6 =	vor.u32 v51, v7  }
0xb4: {  	v4 =	vmul.f32 v4, v1;
	[tilespmem:s17+$0x0] =	vst v3  }
0xb5: {  	s15 =	sadd.s32 $0x80, s15;
	v52 =	vmul.f32 v5, v1;
	[tilespmem:s17+$0x30] =	vst v2  }
0xb6: {  	v53 =	vld [tilespmem:s15+$0xFFFFFFF0];
	[tilespmem:s17+$0x10] =	vst v4  }
0xb7: {  	[tilespmem:s17+$0x20] =	vst v52  }
0xb8: {  	v1 =	vld.idx.msk [tilespmem:v6+s29+$0x0], $0xffff  }
0xb9: {  	v54 =	vld [tilespmem:s15+$0xFFFFFFC0]  }
0xba: {  	s16 =	sadd.s32 $0x1, s16;
	v55 =	vld [tilespmem:s15+$0xFFFFFFD0]  }
0xbb: {  	v57 =	vmov s16;
	v56 =	vld [tilespmem:s15+$0xFFFFFFE0]  }
0xbc: {  	v58 =	vand.u32 $0x78, v57  }
0xbd: {  	v59 =	vadd.s32 v0, v58;
	v6 =	vand.u32 $0x7, v57;
	v2 =	vmul.f32 v53, v1  }
0xbe: {  	v0 =	vor.u32 v6, v59;
	v3 =	vmul.f32 v54, v1  }
0xbf: {  	v4 =	vmul.f32 v55, v1;
	[tilespmem:s15+$0xFFFFFFF0] =	vst v2  }
0xc0: {  	v1 =	vmul.f32 v56, v1;
	[tilespmem:s15+$0xFFFFFFC0] =	vst v3  }
0xc1: {  	[tilespmem:s15+$0xFFFFFFD0] =	vst v4  }
0xc2: {  	v60 =	vld [tilespmem:s15+$0x0];
	[tilespmem:s15+$0xFFFFFFE0] =	vst v1  }
0xc3: {  	v0 =	vld.idx.msk [tilespmem:v0+s29+$0x0], $0xffff  }
0xc4: {  	v61 =	vld [tilespmem:s15+$0x30]  }
0xc5: {  	v62 =	vld [tilespmem:s15+$0x10]  }
0xc6: {  	v63 =	vld [tilespmem:s15+$0x20];
	_ =	sdelay $0x1  }
0xc7: {  	v2 =	vmul.f32 v60, v0  }
0xc8: {  	v1 =	vmul.f32 v61, v0  }
0xc9: {  	v3 =	vmul.f32 v62, v0;
	[tilespmem:s15+$0x0] =	vst v2  }
0xca: {  	v0 =	vmul.f32 v63, v0;
	[tilespmem:s15+$0x30] =	vst v1  }
0xcb: {  	[tilespmem:s15+$0x10] =	vst v3  }
0xcc: {  	[tilespmem:s15+$0x20] =	vst v0;
	s15 =	simm.s32 @!p3 $0x4  }
0xcd: {  	_ =	swait.ge @!p3 [sflag:s15], $0x50  }
0xce: {  	[sflag:s15] =	ssyncset.done @!p3 $0x0  }
0xcf: {  	[sflag:s15] =	ssyncadd.s32 @!p3 $0xFFFFFFB0  }
0xd0: {  	_ =	swait.ge @!p3 [sflag:s15], $0x50  }
0xd1: {  	s10 =	smul.u32 @!p3 $0x50, s10;
	[sflag:s15] =	ssyncset.done @!p3 $0x0  }
0xd2: {  	[sflag:s15] =	ssyncadd.s32 @!p3 $0xFFFFFFB0  }
0xd3: {  	v0 =	vld @!p3 [tilespmem:s10+$0x4E20]  }
0xd4: {  	v1 =	vld @!p3 [tilespmem:s10+$0x4EC0]  }
0xd5: {  	v2 =	vld @!p3 [tilespmem:s10+$0x4E30]  }
0xd6: {  	v3 =	vld @!p3 [tilespmem:s10+$0x4ED0]  }
0xd7: {  	v4 =	vld @!p3 [tilespmem:s10+$0x4E40]  }
0xd8: {  	v5 =	vld @!p3 [tilespmem:s10+$0x4EE0]  }
0xd9: {  	v6 =	vld @!p3 [tilespmem:s10+$0x4E50]  }
0xda: {  	v7 =	vld @!p3 [tilespmem:s10+$0x4EF0]  }
0xdb: {  	v8 =	vld @!p3 [tilespmem:s10+$0x4E60]  }
0xdc: {  	v9 =	vld @!p3 [tilespmem:s10+$0x4F00]  }
0xdd: {  	v0 =	vadd.f32 @!p3 v1, v0  }
0xde: {  	v1 =	vadd.f32 @!p3 v3, v2  }
0xdf: {  	v2 =	vadd.f32 @!p3 v5, v4;
	v3 =	vmul.f32 @!p3 $2.000000030e-01, v0  }
0xe0: {  	v4 =	vadd.f32 @!p3 v7, v6;
	v5 =	vmul.f32 @!p3 $2.000000030e-01, v1  }
0xe1: {  	v6 =	vadd.f32 @!p3 v9, v8;
	v0 =	vmax.f32 @!p3 v0, v3;
	v3 =	vmul.f32 @!p3 $2.000000030e-01, v2  }
0xe2: {  	v1 =	vmax.f32 @!p3 v1, v5;
	v5 =	vmul.f32 @!p3 $2.000000030e-01, v4;
	v0 =	vmul.f32 @!p3 $1.442695020e+00, v0  }
0xe3: {  	v1 =	vmul.f32 @!p3 $1.442695020e+00, v1;
	v2 =	vmax.f32 @!p3 v2, v3;
	v3 =	vmul.f32 @!p3 $2.000000030e-01, v6  }
0xe4: {  	(erf) = vpow2.f32 @!p3 v0;
	v0 =	vmul.f32 @!p3 $1.442695020e+00, v2;
	v2 =	vmax.f32 @!p3 v4, v5  }
0xe5: {  	(erf) = vpow2.f32 @!p3 v1;
	v1 =	vmul.f32 @!p3 $1.442695020e+00, v2;
	v2 =	vmax.f32 @!p3 v6, v3  }
0xe6: {  	(erf) = vpow2.f32 @!p3 v0;
	v0 =	vmul.f32 @!p3 $1.442695020e+00, v2  }
0xe7: {  	(erf) = vpow2.f32 @!p3 v1  }
0xe8: {  	(erf) = vpow2.f32 @!p3 v0;
	_ =	sdelay $0x4  }
0xe9: {  	v0 =	vpop @!p3 (erf)  }
0xea: {  	v1 =	vpop @!p3 (erf);
	[tilespmem:s10+$0x4F60] =	vst @!p3 v0  }
0xeb: {  	v0 =	vpop @!p3 (erf);
	[tilespmem:s10+$0x4F70] =	vst @!p3 v1  }
0xec: {  	v1 =	vpop @!p3 (erf);
	[tilespmem:s10+$0x4F80] =	vst @!p3 v0  }
0xed: {  	[tilespmem:s10+$0x4F90] =	vst @!p3 v1;
	v0 =	vpop @!p3 (erf)  }
0xee: {  	[tilespmem:s10+$0x4FA0] =	vst @!p3 v0;
	p3 =	sne.s32 s9, $0x7D  }
.Ltmp4:
0xef: {  	_ = 	snop;
	(pc) =	sbr.rel @p3 .LBB2_2-.Ltmp4, $3  }
0xf0: {  	_ =	sdelay $0x1  }
0xf1: {  	[spmem:s1] =	stream.indirect.scatter.add.f32 [tilespmem:s14], [sflag:$0x2], $0x40, s13, s26, $0xb8;
	[tilespmem:$0x1E3B0] =	vst v63  }
0xf2: {  	s8 =	sadd.s32 $0x1, s8;
	s14 =	smov.u32 s9  }
0xf3: {  	_ =	swait.ge [sflag:s30], $0x1400  }
0xf4: {  	[sflag:s30] =	ssyncset.done $0x0  }
0xf5: {  	[sflag:s30] =	ssyncadd.s32 $0xFFFFEC00  }
0xf6: {  	_ =	swait.ge [sflag:s31], $0x50  }
0xf7: {  	[sflag:s31] =	ssyncset.done $0x0  }
0xf8: {  	[sflag:s31] =	ssyncadd.s32 $0xFFFFFFB0  }
0xf9: {  	[bflag:$0x0] =	sbarrier.arrive $0xFFFF  }
0xfa: {  	s8 =	rddreg [dreg:$0x10]  }
0xfb: {  	[hbm:s8], [sflag:s12] =	dma.local [spmem:s21], $0x1400  }
0xfc: {  	s3 =	sadd.s32 $0x1, s3;
	_ =	swait.ge [sflag:s22], $0x1400  }
0xfd: {  	p3 =	sne.s32 s3, s20;
	[sflag:s22] =	ssyncset.done $0x0  }
.Ltmp5:
0xfe: {  	s23 =	rddreg [dreg:$0x11];
	[sflag:s22] =	ssyncadd.s32 $0xFFFFEC00;
	(pc) =	sbr.rel @p3 .LBB2_1-.Ltmp5, $4  }
0xff: {  	[hbm:s23], [sflag:s12] =	dma.local [spmem:s0], $0x50  }
0x100: {  	_ =	swait.ge [sflag:s22], $0x50  }
0x101: {  	[sflag:s22] =	ssyncset.done $0x0  }
0x102: {  	[sflag:s22] =	ssyncadd.s32 $0xFFFFFFB0  }
0x103: {  	_ =	sfence.sel $0x180000  }
0x104: {  	[bflag:$0x0] =	sbarrier.arrive $0xFFFF  }
0x105: {  	_ =	strace $0x90000047  }
0x106: {  	s0 =	stileid.u32;
	[bflag:$0x2] =	sbarrier.arrive $0xFFFF  }
0x107: {  	p0 =	sne.s32 s0, $0x0;
	s0 =	rddreg [dreg:$0x7]  }
0x108: {  	s0 =	sadd.s32 @!p0 $0x100000, s0  }
0x109: {  	[sflag:s0] =	ssyncadd.tile.s32 @!p0 $0x1;
	_ =	shalt  }
.Lfunc_end2:
_tile_overlayer_lowered:
.L_overlay_start_2:
0x10a: {  	(tag) =	ssettag $0x2  }
0x10b: {  	s0 =	rddreg [dreg:$0x0];
	s2 =	stileid.u32  }
0x10c: {  	s1 =	rddreg [dreg:$0x1];
	p0 =	sne.s32 s2, $0x0  }
0x10d: {  	s3 =	rddreg [dreg:$0x2];
	[bflag:$0x3] =	sbarrier.arrive $0xFFFF;
	s2 =	simm.s32 @!p0 $0x1C05  }
0x10e: {  	[timem:s3], [sflag:s2] =	dma.local @!p0 [hbm:s0], s1  }
0x10f: {  	s0 =	simm.s32 @!p0 $0x5  }
0x110: {  	_ =	swait.ge @!p0 [sflag:s0], s1  }
0x111: {  	s1 =	ssub.s32 @!p0 $0x0, s1;
	[sflag:s0] =	ssyncset.done @!p0 $0x0  }
0x112: {  	[sflag:s0] =	ssyncadd.s32 @!p0 s1  }
0x113: {  	[bflag:$0x3] =	sbarrier.arrive $0xFFFF  }
0x114: {  	_ =	shalt  }

</sc_bundles>
